<compile_context>
chip_gen: v7x
topology: tpu7x:2x2x1
jax: 0.10.2.dev20260603
libtpu: 0.0.44.dev20260713+nightly
codegen_flags: <defaults>
</compile_context>

<pallas_src>
import functools

import jax
import jax.numpy as jnp
from jax import lax
from jax.experimental import pallas as pl
from jax.experimental.pallas import tpu as pltpu
from jax.experimental.pallas import tpu_sc as plsc

_NUM_EMB = 1024
_DIM = 64
_PDIM = 32
_N = 32768
_R = 2048

_NW = 32
_BPW = _N // _NW
_CHUNK = 128
_NCH = _BPW // _CHUNK


def _embproj_kernel(emb_ref, w_ref, b_ref, embp_ref, embn_ref):
    emb_p = jax.lax.dot_general(
        emb_ref[:], w_ref[:], (((1,), (1,)), ((), ())),
        preferred_element_type=jnp.float32) + b_ref[:]
    embp_ref[:] = emb_p
    embn_ref[:] = jnp.sum(emb_p * emb_p, axis=1)[None, :]


def _closest_kernel(z_ref, embp_ref, embn_ref, w_ref, b_ref, oh_ref, cl_ref):
    z_p = jax.lax.dot_general(
        z_ref[:], w_ref[:], (((1,), (1,)), ((), ())),
        preferred_element_type=jnp.float32) + b_ref[:]
    rowsq = jnp.sum(z_p * z_p, axis=1, keepdims=True)
    cross = jax.lax.dot_general(
        z_p, embp_ref[:], (((1,), (1,)), ((), ())),
        preferred_element_type=jnp.float32)
    dist = (rowsq + embn_ref[:]) - 2.0 * cross
    minv = jnp.min(dist, axis=1, keepdims=True)
    iota = jax.lax.broadcasted_iota(jnp.int32, (_R, _NUM_EMB), 1)
    masked = jnp.where(dist == minv, iota, jnp.int32(2 ** 30))
    closest = jnp.min(masked, axis=1)
    oh_ref[:] = (iota == closest[:, None]).astype(jnp.float32)
    cl_ref[:, :] = closest.reshape(_R // _CHUNK, _CHUNK)


_mesh = plsc.VectorSubcoreMesh(core_axis_name="c", subcore_axis_name="s",
                               num_cores=2, num_subcores=16)


@functools.partial(
    pl.kernel,
    out_type=jax.ShapeDtypeStruct((_N, _DIM), jnp.float32),
    mesh=_mesh,
    scratch_types=[
        pltpu.VMEM((_NCH, _CHUNK), jnp.int32),
    ] + [pltpu.VMEM((_CHUNK, _DIM), jnp.float32) for _ in range(_NCH)] + [
        pltpu.SemaphoreType.DMA,
        pltpu.SemaphoreType.DMA,
    ],
    compiler_params=pltpu.CompilerParams(use_tc_tiling_on_sc=False),
)
def _gather_kernel(cl_hbm, table_hbm, out_hbm, idx_v, *rest):
    bufs, (sem_g, sem_w) = rest[:_NCH], rest[_NCH:]
    wid = lax.axis_index("s") * 2 + lax.axis_index("c")
    base = wid * _BPW
    pltpu.sync_copy(cl_hbm.at[pl.ds(wid * _NCH, _NCH)], idx_v)
    gcps = [pltpu.async_copy(table_hbm.at[idx_v.at[c]], bufs[c], sem_g)
            for c in range(_NCH)]
    wcps = []
    for c in range(_NCH):
        gcps[c].wait()
        wcps.append(pltpu.async_copy(
            bufs[c], out_hbm.at[pl.ds(base + c * _CHUNK, _CHUNK)], sem_w))
    for w in wcps:
        w.wait()


def kernel(z, embeddings, W, b):
    b2 = b.reshape(1, _PDIM)
    emb_p, embn = pl.pallas_call(
        _embproj_kernel,
        out_shape=[
            jax.ShapeDtypeStruct((_NUM_EMB, _PDIM), jnp.float32),
            jax.ShapeDtypeStruct((1, _NUM_EMB), jnp.float32),
        ],
    )(embeddings, W, b2)
    one_hot, cl = pl.pallas_call(
        _closest_kernel,
        grid=(_N // _R,),
        in_specs=[
            pl.BlockSpec((_R, _DIM), lambda i: (i, 0)),
            pl.BlockSpec((_NUM_EMB, _PDIM), lambda i: (0, 0)),
            pl.BlockSpec((1, _NUM_EMB), lambda i: (0, 0)),
            pl.BlockSpec((_PDIM, _DIM), lambda i: (0, 0)),
            pl.BlockSpec((1, _PDIM), lambda i: (0, 0)),
        ],
        out_specs=[
            pl.BlockSpec((_R, _NUM_EMB), lambda i: (i, 0)),
            pl.BlockSpec((_R // _CHUNK, _CHUNK), lambda i: (i, 0)),
        ],
        out_shape=[
            jax.ShapeDtypeStruct((_N, _NUM_EMB), jnp.float32),
            jax.ShapeDtypeStruct((_N // _CHUNK, _CHUNK), jnp.int32),
        ],
    )(z, emb_p, embn, W, b2)
    quantized = _gather_kernel(cl, embeddings)
    return (quantized, one_hot)

# --- scband reference (transcript-rebuilt; emitter-appended) ---
"""Pipeline reference for scband-quantizer-ema-43026982372001 (READ-ONLY COPY).

The authoritative reference and input builder live on the scoring server;
editing this copy changes nothing except your own understanding.
"""

import jax, jax.numpy as jnp
import numpy as np

NUM_EMBEDDINGS = 1024
EMBEDDING_DIM = 64
N_TOKENS = 32768

def setup_inputs(seed: int = 0) -> dict:
    key = jax.random.key(seed)
    k1, k2, k3, k4 = jax.random.split(key, 4)
    z = jax.random.normal(k1, (N_TOKENS, EMBEDDING_DIM), dtype=jnp.float32)
    # buffer: embeddings ~ N(0,1) as in torch .normal_()
    embeddings = jax.random.normal(k2, (NUM_EMBEDDINGS, EMBEDDING_DIM), dtype=jnp.float32)
    # linear_proj: Linear(embedding_dim, embedding_dim//2) -> W [32, 64], b [32]
    bound = 1.0 / np.sqrt(EMBEDDING_DIM)
    W = jax.random.uniform(k3, (EMBEDDING_DIM // 2, EMBEDDING_DIM), dtype=jnp.float32, minval=-bound, maxval=bound)
    b = jax.random.uniform(k4, (EMBEDDING_DIM // 2,), dtype=jnp.float32, minval=-bound, maxval=bound)
    return {"z": z, "embeddings": embeddings, "W": W, "b": b}

def reference(z, embeddings, W, b):
    # z_ = linear_proj(z); emb_ = linear_proj(embeddings)
    z_ = z @ W.T + b
    emb_ = embeddings @ W.T + b
    # pairwise squared distances in projected space
    distances = (z_ ** 2).sum(axis=-1, keepdims=True) + (emb_ ** 2).sum(axis=-1) - 2.0 * (z_ @ emb_.T)
    closest = jnp.argmin(distances, axis=-1)
    one_hot_encoding = jax.nn.one_hot(closest, NUM_EMBEDDINGS, dtype=jnp.float32)
    quantized = one_hot_encoding @ embeddings
    return (quantized, one_hot_encoding)

if __name__ == "__main__":
    import jax
    _d = setup_inputs()
    print(jax.jit(kernel)(*tuple(_d.values())))

</pallas_src>

<mosaic_0001>
#map = affine_map<(d0, d1) -> (0, 0)>
module attributes {stable_mosaic.version = 14 : i64} {
  func.func @_gather_kernel(%arg0: i32, %arg1: i32, %arg2: memref<256x128xi32, #tpu.memory_space<hbm>>, %arg3: memref<1024x64xf32, #tpu.memory_space<hbm>>, %arg4: memref<32768x64xf32, #tpu.memory_space<hbm>>, %arg5: memref<8x128xi32, #tpu.memory_space<vmem>>, %arg6: memref<128x64xf32, #tpu.memory_space<vmem>>, %arg7: memref<128x64xf32, #tpu.memory_space<vmem>>, %arg8: memref<128x64xf32, #tpu.memory_space<vmem>>, %arg9: memref<128x64xf32, #tpu.memory_space<vmem>>, %arg10: memref<128x64xf32, #tpu.memory_space<vmem>>, %arg11: memref<128x64xf32, #tpu.memory_space<vmem>>, %arg12: memref<128x64xf32, #tpu.memory_space<vmem>>, %arg13: memref<128x64xf32, #tpu.memory_space<vmem>>, %arg14: memref<!tpu.dma_semaphore, #tpu.memory_space<semaphore_mem>>, %arg15: memref<!tpu.dma_semaphore, #tpu.memory_space<semaphore_mem>>) attributes {dimension_semantics = [#tpu.dimension_semantics<core_parallel>, #tpu.dimension_semantics<subcore_parallel>], iteration_bounds = array<i64: 2, 16>, scalar_prefetch = 0 : i64, scratch_operands = 11 : i64, tpu.core_type = #tpu.core_type<sc_vector_subcore>, window_params = [{transform_indices = #map}, {transform_indices = #map}, {transform_indices = #map}]} {
    %mul3A = arith.constant 2 : i32
    %mul3A_0 = arith.muli %arg1, %mul3A : i32
    %add3A = arith.addi %mul3A_0, %arg0 : i32
    %mul3A_1 = arith.constant 1024 : i32
    %mul3A_2 = arith.muli %add3A, %mul3A_1 : i32
    %mul3A_3 = arith.constant 8 : i32
    %mul3A_4 = arith.muli %add3A, %mul3A_3 : i32
    "tpu.region"() ({
      %run_scoped3A = tpu.sem_alloc : memref<!tpu.dma_semaphore, #tpu.memory_space<semaphore_mem>>
      %dma_start3A_195 = arith.constant 0 : i32
      %dma_start3A_196 = tpu.memref_slice %arg2[%mul3A_4, %dma_start3A_195] : memref<256x128xi32, #tpu.memory_space<hbm>> -> memref<8x128xi32, #tpu.memory_space<hbm>>
      %dma_start3A_197 = arith.constant 0 : i32
      %dma_start3A_198 = tpu.memref_slice %arg2[%mul3A_4, %dma_start3A_197] : memref<256x128xi32, #tpu.memory_space<hbm>> -> memref<8x128xi32, #tpu.memory_space<hbm>>
      tpu.enqueue_dma source(%dma_start3A_198 : memref<8x128xi32, #tpu.memory_space<hbm>>) target(%arg5 : memref<8x128xi32, #tpu.memory_space<vmem>>) target_semaphore(%run_scoped3A : memref<!tpu.dma_semaphore, #tpu.memory_space<semaphore_mem>>)
      %dma_wait3A_199 = arith.constant 0 : i32
      %dma_wait3A_200 = tpu.memref_slice %arg2[%mul3A_4, %dma_wait3A_199] : memref<256x128xi32, #tpu.memory_space<hbm>> -> memref<8x128xi32, #tpu.memory_space<hbm>>
      %dma_wait3A_201 = arith.constant 0 : i32
      %dma_wait3A_202 = tpu.memref_slice %arg2[%mul3A_4, %dma_wait3A_201] : memref<256x128xi32, #tpu.memory_space<hbm>> -> memref<8x128xi32, #tpu.memory_space<hbm>>
      tpu.wait_dma2 semaphore(%run_scoped3A : memref<!tpu.dma_semaphore, #tpu.memory_space<semaphore_mem>>) src(%dma_wait3A_202 : memref<8x128xi32, #tpu.memory_space<hbm>>) dst(%arg5 : memref<8x128xi32, #tpu.memory_space<vmem>>)
      tpu.yield
    }) : () -> ()
    %dma_start3A = arith.constant 0 : i32
    %dma_start3A_5 = arith.constant 0 : i32
    %dma_start3A_6 = tpu.memref_slice %arg5[%dma_start3A, %dma_start3A_5] : memref<8x128xi32, #tpu.memory_space<vmem>> -> memref<1x128xi32, #tpu.memory_space<vmem>>
    %dma_start3A_7 = tpu.memref_squeeze %dma_start3A_6 : memref<1x128xi32, #tpu.memory_space<vmem>> -> memref<128xi32, #tpu.memory_space<vmem>>
    %dma_start3A_8 = arith.constant 0 : i32
    %dma_start3A_9 = arith.constant 0 : i32
    %dma_start3A_10 = tpu.memref_slice %arg3[%dma_start3A_8, %dma_start3A_9] : memref<1024x64xf32, #tpu.memory_space<hbm>> -> memref<1024x64xf32, #tpu.memory_space<hbm>>
    tpu.enqueue_indirect_dma source(%dma_start3A_10 : memref<1024x64xf32, #tpu.memory_space<hbm>>) target(%arg6 : memref<128x64xf32, #tpu.memory_space<vmem>>) offsets(%dma_start3A_7 : memref<128xi32, #tpu.memory_space<vmem>>) semaphore(%arg14 : memref<!tpu.dma_semaphore, #tpu.memory_space<semaphore_mem>>)
    %dma_start3A_11 = arith.constant 1 : i32
    %dma_start3A_12 = arith.constant 0 : i32
    %dma_start3A_13 = tpu.memref_slice %arg5[%dma_start3A_11, %dma_start3A_12] : memref<8x128xi32, #tpu.memory_space<vmem>> -> memref<1x128xi32, #tpu.memory_space<vmem>>
    %dma_start3A_14 = tpu.memref_squeeze %dma_start3A_13 : memref<1x128xi32, #tpu.memory_space<vmem>> -> memref<128xi32, #tpu.memory_space<vmem>>
    %dma_start3A_15 = arith.constant 0 : i32
    %dma_start3A_16 = arith.constant 0 : i32
    %dma_start3A_17 = tpu.memref_slice %arg3[%dma_start3A_15, %dma_start3A_16] : memref<1024x64xf32, #tpu.memory_space<hbm>> -> memref<1024x64xf32, #tpu.memory_space<hbm>>
    tpu.enqueue_indirect_dma source(%dma_start3A_17 : memref<1024x64xf32, #tpu.memory_space<hbm>>) target(%arg7 : memref<128x64xf32, #tpu.memory_space<vmem>>) offsets(%dma_start3A_14 : memref<128xi32, #tpu.memory_space<vmem>>) semaphore(%arg14 : memref<!tpu.dma_semaphore, #tpu.memory_space<semaphore_mem>>)
    %dma_start3A_18 = arith.constant 2 : i32
    %dma_start3A_19 = arith.constant 0 : i32
    %dma_start3A_20 = tpu.memref_slice %arg5[%dma_start3A_18, %dma_start3A_19] : memref<8x128xi32, #tpu.memory_space<vmem>> -> memref<1x128xi32, #tpu.memory_space<vmem>>
    %dma_start3A_21 = tpu.memref_squeeze %dma_start3A_20 : memref<1x128xi32, #tpu.memory_space<vmem>> -> memref<128xi32, #tpu.memory_space<vmem>>
    %dma_start3A_22 = arith.constant 0 : i32
    %dma_start3A_23 = arith.constant 0 : i32
    %dma_start3A_24 = tpu.memref_slice %arg3[%dma_start3A_22, %dma_start3A_23] : memref<1024x64xf32, #tpu.memory_space<hbm>> -> memref<1024x64xf32, #tpu.memory_space<hbm>>
    tpu.enqueue_indirect_dma source(%dma_start3A_24 : memref<1024x64xf32, #tpu.memory_space<hbm>>) target(%arg8 : memref<128x64xf32, #tpu.memory_space<vmem>>) offsets(%dma_start3A_21 : memref<128xi32, #tpu.memory_space<vmem>>) semaphore(%arg14 : memref<!tpu.dma_semaphore, #tpu.memory_space<semaphore_mem>>)
    %dma_start3A_25 = arith.constant 3 : i32
    %dma_start3A_26 = arith.constant 0 : i32
    %dma_start3A_27 = tpu.memref_slice %arg5[%dma_start3A_25, %dma_start3A_26] : memref<8x128xi32, #tpu.memory_space<vmem>> -> memref<1x128xi32, #tpu.memory_space<vmem>>
    %dma_start3A_28 = tpu.memref_squeeze %dma_start3A_27 : memref<1x128xi32, #tpu.memory_space<vmem>> -> memref<128xi32, #tpu.memory_space<vmem>>
    %dma_start3A_29 = arith.constant 0 : i32
    %dma_start3A_30 = arith.constant 0 : i32
    %dma_start3A_31 = tpu.memref_slice %arg3[%dma_start3A_29, %dma_start3A_30] : memref<1024x64xf32, #tpu.memory_space<hbm>> -> memref<1024x64xf32, #tpu.memory_space<hbm>>
    tpu.enqueue_indirect_dma source(%dma_start3A_31 : memref<1024x64xf32, #tpu.memory_space<hbm>>) target(%arg9 : memref<128x64xf32, #tpu.memory_space<vmem>>) offsets(%dma_start3A_28 : memref<128xi32, #tpu.memory_space<vmem>>) semaphore(%arg14 : memref<!tpu.dma_semaphore, #tpu.memory_space<semaphore_mem>>)
    %dma_start3A_32 = arith.constant 4 : i32
    %dma_start3A_33 = arith.constant 0 : i32
    %dma_start3A_34 = tpu.memref_slice %arg5[%dma_start3A_32, %dma_start3A_33] : memref<8x128xi32, #tpu.memory_space<vmem>> -> memref<1x128xi32, #tpu.memory_space<vmem>>
    %dma_start3A_35 = tpu.memref_squeeze %dma_start3A_34 : memref<1x128xi32, #tpu.memory_space<vmem>> -> memref<128xi32, #tpu.memory_space<vmem>>
    %dma_start3A_36 = arith.constant 0 : i32
    %dma_start3A_37 = arith.constant 0 : i32
    %dma_start3A_38 = tpu.memref_slice %arg3[%dma_start3A_36, %dma_start3A_37] : memref<1024x64xf32, #tpu.memory_space<hbm>> -> memref<1024x64xf32, #tpu.memory_space<hbm>>
    tpu.enqueue_indirect_dma source(%dma_start3A_38 : memref<1024x64xf32, #tpu.memory_space<hbm>>) target(%arg10 : memref<128x64xf32, #tpu.memory_space<vmem>>) offsets(%dma_start3A_35 : memref<128xi32, #tpu.memory_space<vmem>>) semaphore(%arg14 : memref<!tpu.dma_semaphore, #tpu.memory_space<semaphore_mem>>)
    %dma_start3A_39 = arith.constant 5 : i32
    %dma_start3A_40 = arith.constant 0 : i32
    %dma_start3A_41 = tpu.memref_slice %arg5[%dma_start3A_39, %dma_start3A_40] : memref<8x128xi32, #tpu.memory_space<vmem>> -> memref<1x128xi32, #tpu.memory_space<vmem>>
    %dma_start3A_42 = tpu.memref_squeeze %dma_start3A_41 : memref<1x128xi32, #tpu.memory_space<vmem>> -> memref<128xi32, #tpu.memory_space<vmem>>
    %dma_start3A_43 = arith.constant 0 : i32
    %dma_start3A_44 = arith.constant 0 : i32
    %dma_start3A_45 = tpu.memref_slice %arg3[%dma_start3A_43, %dma_start3A_44] : memref<1024x64xf32, #tpu.memory_space<hbm>> -> memref<1024x64xf32, #tpu.memory_space<hbm>>
    tpu.enqueue_indirect_dma source(%dma_start3A_45 : memref<1024x64xf32, #tpu.memory_space<hbm>>) target(%arg11 : memref<128x64xf32, #tpu.memory_space<vmem>>) offsets(%dma_start3A_42 : memref<128xi32, #tpu.memory_space<vmem>>) semaphore(%arg14 : memref<!tpu.dma_semaphore, #tpu.memory_space<semaphore_mem>>)
    %dma_start3A_46 = arith.constant 6 : i32
    %dma_start3A_47 = arith.constant 0 : i32
    %dma_start3A_48 = tpu.memref_slice %arg5[%dma_start3A_46, %dma_start3A_47] : memref<8x128xi32, #tpu.memory_space<vmem>> -> memref<1x128xi32, #tpu.memory_space<vmem>>
    %dma_start3A_49 = tpu.memref_squeeze %dma_start3A_48 : memref<1x128xi32, #tpu.memory_space<vmem>> -> memref<128xi32, #tpu.memory_space<vmem>>
    %dma_start3A_50 = arith.constant 0 : i32
    %dma_start3A_51 = arith.constant 0 : i32
    %dma_start3A_52 = tpu.memref_slice %arg3[%dma_start3A_50, %dma_start3A_51] : memref<1024x64xf32, #tpu.memory_space<hbm>> -> memref<1024x64xf32, #tpu.memory_space<hbm>>
    tpu.enqueue_indirect_dma source(%dma_start3A_52 : memref<1024x64xf32, #tpu.memory_space<hbm>>) target(%arg12 : memref<128x64xf32, #tpu.memory_space<vmem>>) offsets(%dma_start3A_49 : memref<128xi32, #tpu.memory_space<vmem>>) semaphore(%arg14 : memref<!tpu.dma_semaphore, #tpu.memory_space<semaphore_mem>>)
    %dma_start3A_53 = arith.constant 7 : i32
    %dma_start3A_54 = arith.constant 0 : i32
    %dma_start3A_55 = tpu.memref_slice %arg5[%dma_start3A_53, %dma_start3A_54] : memref<8x128xi32, #tpu.memory_space<vmem>> -> memref<1x128xi32, #tpu.memory_space<vmem>>
    %dma_start3A_56 = tpu.memref_squeeze %dma_start3A_55 : memref<1x128xi32, #tpu.memory_space<vmem>> -> memref<128xi32, #tpu.memory_space<vmem>>
    %dma_start3A_57 = arith.constant 0 : i32
    %dma_start3A_58 = arith.constant 0 : i32
    %dma_start3A_59 = tpu.memref_slice %arg3[%dma_start3A_57, %dma_start3A_58] : memref<1024x64xf32, #tpu.memory_space<hbm>> -> memref<1024x64xf32, #tpu.memory_space<hbm>>
    tpu.enqueue_indirect_dma source(%dma_start3A_59 : memref<1024x64xf32, #tpu.memory_space<hbm>>) target(%arg13 : memref<128x64xf32, #tpu.memory_space<vmem>>) offsets(%dma_start3A_56 : memref<128xi32, #tpu.memory_space<vmem>>) semaphore(%arg14 : memref<!tpu.dma_semaphore, #tpu.memory_space<semaphore_mem>>)
    %dma_wait3A = arith.constant 0 : i32
    %dma_wait3A_60 = arith.constant 0 : i32
    %dma_wait3A_61 = tpu.memref_slice %arg5[%dma_wait3A, %dma_wait3A_60] : memref<8x128xi32, #tpu.memory_space<vmem>> -> memref<1x128xi32, #tpu.memory_space<vmem>>
    %dma_wait3A_62 = tpu.memref_squeeze %dma_wait3A_61 : memref<1x128xi32, #tpu.memory_space<vmem>> -> memref<128xi32, #tpu.memory_space<vmem>>
    %dma_wait3A_63 = arith.constant 0 : i32
    %dma_wait3A_64 = arith.constant 0 : i32
    %dma_wait3A_65 = tpu.memref_slice %arg3[%dma_wait3A_63, %dma_wait3A_64] : memref<1024x64xf32, #tpu.memory_space<hbm>> -> memref<1024x64xf32, #tpu.memory_space<hbm>>
    tpu.wait_indirect_dma semaphore(%arg14 : memref<!tpu.dma_semaphore, #tpu.memory_space<semaphore_mem>>) src(%dma_wait3A_65 : memref<1024x64xf32, #tpu.memory_space<hbm>>) dst(%arg6 : memref<128x64xf32, #tpu.memory_space<vmem>>)
    %add3A_66 = arith.constant 0 : i32
    %add3A_67 = arith.addi %mul3A_2, %add3A_66 : i32
    %dma_start3A_68 = arith.constant 0 : i32
    %dma_start3A_69 = tpu.memref_slice %arg4[%add3A_67, %dma_start3A_68] : memref<32768x64xf32, #tpu.memory_space<hbm>> -> memref<128x64xf32, #tpu.memory_space<hbm>>
    %dma_start3A_70 = arith.constant 0 : i32
    %dma_start3A_71 = tpu.memref_slice %arg4[%add3A_67, %dma_start3A_70] : memref<32768x64xf32, #tpu.memory_space<hbm>> -> memref<128x64xf32, #tpu.memory_space<hbm>>
    tpu.enqueue_dma source(%arg6 : memref<128x64xf32, #tpu.memory_space<vmem>>) target(%dma_start3A_71 : memref<128x64xf32, #tpu.memory_space<hbm>>) target_semaphore(%arg15 : memref<!tpu.dma_semaphore, #tpu.memory_space<semaphore_mem>>)
    %dma_wait3A_72 = arith.constant 1 : i32
    %dma_wait3A_73 = arith.constant 0 : i32
    %dma_wait3A_74 = tpu.memref_slice %arg5[%dma_wait3A_72, %dma_wait3A_73] : memref<8x128xi32, #tpu.memory_space<vmem>> -> memref<1x128xi32, #tpu.memory_space<vmem>>
    %dma_wait3A_75 = tpu.memref_squeeze %dma_wait3A_74 : memref<1x128xi32, #tpu.memory_space<vmem>> -> memref<128xi32, #tpu.memory_space<vmem>>
    %dma_wait3A_76 = arith.constant 0 : i32
    %dma_wait3A_77 = arith.constant 0 : i32
    %dma_wait3A_78 = tpu.memref_slice %arg3[%dma_wait3A_76, %dma_wait3A_77] : memref<1024x64xf32, #tpu.memory_space<hbm>> -> memref<1024x64xf32, #tpu.memory_space<hbm>>
    tpu.wait_indirect_dma semaphore(%arg14 : memref<!tpu.dma_semaphore, #tpu.memory_space<semaphore_mem>>) src(%dma_wait3A_78 : memref<1024x64xf32, #tpu.memory_space<hbm>>) dst(%arg7 : memref<128x64xf32, #tpu.memory_space<vmem>>)
    %add3A_79 = arith.constant 128 : i32
    %add3A_80 = arith.addi %mul3A_2, %add3A_79 : i32
    %dma_start3A_81 = arith.constant 0 : i32
    %dma_start3A_82 = tpu.memref_slice %arg4[%add3A_80, %dma_start3A_81] : memref<32768x64xf32, #tpu.memory_space<hbm>> -> memref<128x64xf32, #tpu.memory_space<hbm>>
    %dma_start3A_83 = arith.constant 0 : i32
    %dma_start3A_84 = tpu.memref_slice %arg4[%add3A_80, %dma_start3A_83] : memref<32768x64xf32, #tpu.memory_space<hbm>> -> memref<128x64xf32, #tpu.memory_space<hbm>>
    tpu.enqueue_dma source(%arg7 : memref<128x64xf32, #tpu.memory_space<vmem>>) target(%dma_start3A_84 : memref<128x64xf32, #tpu.memory_space<hbm>>) target_semaphore(%arg15 : memref<!tpu.dma_semaphore, #tpu.memory_space<semaphore_mem>>)
    %dma_wait3A_85 = arith.constant 2 : i32
    %dma_wait3A_86 = arith.constant 0 : i32
    %dma_wait3A_87 = tpu.memref_slice %arg5[%dma_wait3A_85, %dma_wait3A_86] : memref<8x128xi32, #tpu.memory_space<vmem>> -> memref<1x128xi32, #tpu.memory_space<vmem>>
    %dma_wait3A_88 = tpu.memref_squeeze %dma_wait3A_87 : memref<1x128xi32, #tpu.memory_space<vmem>> -> memref<128xi32, #tpu.memory_space<vmem>>
    %dma_wait3A_89 = arith.constant 0 : i32
    %dma_wait3A_90 = arith.constant 0 : i32
    %dma_wait3A_91 = tpu.memref_slice %arg3[%dma_wait3A_89, %dma_wait3A_90] : memref<1024x64xf32, #tpu.memory_space<hbm>> -> memref<1024x64xf32, #tpu.memory_space<hbm>>
    tpu.wait_indirect_dma semaphore(%arg14 : memref<!tpu.dma_semaphore, #tpu.memory_space<semaphore_mem>>) src(%dma_wait3A_91 : memref<1024x64xf32, #tpu.memory_space<hbm>>) dst(%arg8 : memref<128x64xf32, #tpu.memory_space<vmem>>)
    %add3A_92 = arith.constant 256 : i32
    %add3A_93 = arith.addi %mul3A_2, %add3A_92 : i32
    %dma_start3A_94 = arith.constant 0 : i32
    %dma_start3A_95 = tpu.memref_slice %arg4[%add3A_93, %dma_start3A_94] : memref<32768x64xf32, #tpu.memory_space<hbm>> -> memref<128x64xf32, #tpu.memory_space<hbm>>
    %dma_start3A_96 = arith.constant 0 : i32
    %dma_start3A_97 = tpu.memref_slice %arg4[%add3A_93, %dma_start3A_96] : memref<32768x64xf32, #tpu.memory_space<hbm>> -> memref<128x64xf32, #tpu.memory_space<hbm>>
    tpu.enqueue_dma source(%arg8 : memref<128x64xf32, #tpu.memory_space<vmem>>) target(%dma_start3A_97 : memref<128x64xf32, #tpu.memory_space<hbm>>) target_semaphore(%arg15 : memref<!tpu.dma_semaphore, #tpu.memory_space<semaphore_mem>>)
    %dma_wait3A_98 = arith.constant 3 : i32
    %dma_wait3A_99 = arith.constant 0 : i32
    %dma_wait3A_100 = tpu.memref_slice %arg5[%dma_wait3A_98, %dma_wait3A_99] : memref<8x128xi32, #tpu.memory_space<vmem>> -> memref<1x128xi32, #tpu.memory_space<vmem>>
    %dma_wait3A_101 = tpu.memref_squeeze %dma_wait3A_100 : memref<1x128xi32, #tpu.memory_space<vmem>> -> memref<128xi32, #tpu.memory_space<vmem>>
    %dma_wait3A_102 = arith.constant 0 : i32
    %dma_wait3A_103 = arith.constant 0 : i32
    %dma_wait3A_104 = tpu.memref_slice %arg3[%dma_wait3A_102, %dma_wait3A_103] : memref<1024x64xf32, #tpu.memory_space<hbm>> -> memref<1024x64xf32, #tpu.memory_space<hbm>>
    tpu.wait_indirect_dma semaphore(%arg14 : memref<!tpu.dma_semaphore, #tpu.memory_space<semaphore_mem>>) src(%dma_wait3A_104 : memref<1024x64xf32, #tpu.memory_space<hbm>>) dst(%arg9 : memref<128x64xf32, #tpu.memory_space<vmem>>)
    %add3A_105 = arith.constant 384 : i32
    %add3A_106 = arith.addi %mul3A_2, %add3A_105 : i32
    %dma_start3A_107 = arith.constant 0 : i32
    %dma_start3A_108 = tpu.memref_slice %arg4[%add3A_106, %dma_start3A_107] : memref<32768x64xf32, #tpu.memory_space<hbm>> -> memref<128x64xf32, #tpu.memory_space<hbm>>
    %dma_start3A_109 = arith.constant 0 : i32
    %dma_start3A_110 = tpu.memref_slice %arg4[%add3A_106, %dma_start3A_109] : memref<32768x64xf32, #tpu.memory_space<hbm>> -> memref<128x64xf32, #tpu.memory_space<hbm>>
    tpu.enqueue_dma source(%arg9 : memref<128x64xf32, #tpu.memory_space<vmem>>) target(%dma_start3A_110 : memref<128x64xf32, #tpu.memory_space<hbm>>) target_semaphore(%arg15 : memref<!tpu.dma_semaphore, #tpu.memory_space<semaphore_mem>>)
    %dma_wait3A_111 = arith.constant 4 : i32
    %dma_wait3A_112 = arith.constant 0 : i32
    %dma_wait3A_113 = tpu.memref_slice %arg5[%dma_wait3A_111, %dma_wait3A_112] : memref<8x128xi32, #tpu.memory_space<vmem>> -> memref<1x128xi32, #tpu.memory_space<vmem>>
    %dma_wait3A_114 = tpu.memref_squeeze %dma_wait3A_113 : memref<1x128xi32, #tpu.memory_space<vmem>> -> memref<128xi32, #tpu.memory_space<vmem>>
    %dma_wait3A_115 = arith.constant 0 : i32
    %dma_wait3A_116 = arith.constant 0 : i32
    %dma_wait3A_117 = tpu.memref_slice %arg3[%dma_wait3A_115, %dma_wait3A_116] : memref<1024x64xf32, #tpu.memory_space<hbm>> -> memref<1024x64xf32, #tpu.memory_space<hbm>>
    tpu.wait_indirect_dma semaphore(%arg14 : memref<!tpu.dma_semaphore, #tpu.memory_space<semaphore_mem>>) src(%dma_wait3A_117 : memref<1024x64xf32, #tpu.memory_space<hbm>>) dst(%arg10 : memref<128x64xf32, #tpu.memory_space<vmem>>)
    %add3A_118 = arith.constant 512 : i32
    %add3A_119 = arith.addi %mul3A_2, %add3A_118 : i32
    %dma_start3A_120 = arith.constant 0 : i32
    %dma_start3A_121 = tpu.memref_slice %arg4[%add3A_119, %dma_start3A_120] : memref<32768x64xf32, #tpu.memory_space<hbm>> -> memref<128x64xf32, #tpu.memory_space<hbm>>
    %dma_start3A_122 = arith.constant 0 : i32
    %dma_start3A_123 = tpu.memref_slice %arg4[%add3A_119, %dma_start3A_122] : memref<32768x64xf32, #tpu.memory_space<hbm>> -> memref<128x64xf32, #tpu.memory_space<hbm>>
    tpu.enqueue_dma source(%arg10 : memref<128x64xf32, #tpu.memory_space<vmem>>) target(%dma_start3A_123 : memref<128x64xf32, #tpu.memory_space<hbm>>) target_semaphore(%arg15 : memref<!tpu.dma_semaphore, #tpu.memory_space<semaphore_mem>>)
    %dma_wait3A_124 = arith.constant 5 : i32
    %dma_wait3A_125 = arith.constant 0 : i32
    %dma_wait3A_126 = tpu.memref_slice %arg5[%dma_wait3A_124, %dma_wait3A_125] : memref<8x128xi32, #tpu.memory_space<vmem>> -> memref<1x128xi32, #tpu.memory_space<vmem>>
    %dma_wait3A_127 = tpu.memref_squeeze %dma_wait3A_126 : memref<1x128xi32, #tpu.memory_space<vmem>> -> memref<128xi32, #tpu.memory_space<vmem>>
    %dma_wait3A_128 = arith.constant 0 : i32
    %dma_wait3A_129 = arith.constant 0 : i32
    %dma_wait3A_130 = tpu.memref_slice %arg3[%dma_wait3A_128, %dma_wait3A_129] : memref<1024x64xf32, #tpu.memory_space<hbm>> -> memref<1024x64xf32, #tpu.memory_space<hbm>>
    tpu.wait_indirect_dma semaphore(%arg14 : memref<!tpu.dma_semaphore, #tpu.memory_space<semaphore_mem>>) src(%dma_wait3A_130 : memref<1024x64xf32, #tpu.memory_space<hbm>>) dst(%arg11 : memref<128x64xf32, #tpu.memory_space<vmem>>)
    %add3A_131 = arith.constant 640 : i32
    %add3A_132 = arith.addi %mul3A_2, %add3A_131 : i32
    %dma_start3A_133 = arith.constant 0 : i32
    %dma_start3A_134 = tpu.memref_slice %arg4[%add3A_132, %dma_start3A_133] : memref<32768x64xf32, #tpu.memory_space<hbm>> -> memref<128x64xf32, #tpu.memory_space<hbm>>
    %dma_start3A_135 = arith.constant 0 : i32
    %dma_start3A_136 = tpu.memref_slice %arg4[%add3A_132, %dma_start3A_135] : memref<32768x64xf32, #tpu.memory_space<hbm>> -> memref<128x64xf32, #tpu.memory_space<hbm>>
    tpu.enqueue_dma source(%arg11 : memref<128x64xf32, #tpu.memory_space<vmem>>) target(%dma_start3A_136 : memref<128x64xf32, #tpu.memory_space<hbm>>) target_semaphore(%arg15 : memref<!tpu.dma_semaphore, #tpu.memory_space<semaphore_mem>>)
    %dma_wait3A_137 = arith.constant 6 : i32
    %dma_wait3A_138 = arith.constant 0 : i32
    %dma_wait3A_139 = tpu.memref_slice %arg5[%dma_wait3A_137, %dma_wait3A_138] : memref<8x128xi32, #tpu.memory_space<vmem>> -> memref<1x128xi32, #tpu.memory_space<vmem>>
    %dma_wait3A_140 = tpu.memref_squeeze %dma_wait3A_139 : memref<1x128xi32, #tpu.memory_space<vmem>> -> memref<128xi32, #tpu.memory_space<vmem>>
    %dma_wait3A_141 = arith.constant 0 : i32
    %dma_wait3A_142 = arith.constant 0 : i32
    %dma_wait3A_143 = tpu.memref_slice %arg3[%dma_wait3A_141, %dma_wait3A_142] : memref<1024x64xf32, #tpu.memory_space<hbm>> -> memref<1024x64xf32, #tpu.memory_space<hbm>>
    tpu.wait_indirect_dma semaphore(%arg14 : memref<!tpu.dma_semaphore, #tpu.memory_space<semaphore_mem>>) src(%dma_wait3A_143 : memref<1024x64xf32, #tpu.memory_space<hbm>>) dst(%arg12 : memref<128x64xf32, #tpu.memory_space<vmem>>)
    %add3A_144 = arith.constant 768 : i32
    %add3A_145 = arith.addi %mul3A_2, %add3A_144 : i32
    %dma_start3A_146 = arith.constant 0 : i32
    %dma_start3A_147 = tpu.memref_slice %arg4[%add3A_145, %dma_start3A_146] : memref<32768x64xf32, #tpu.memory_space<hbm>> -> memref<128x64xf32, #tpu.memory_space<hbm>>
    %dma_start3A_148 = arith.constant 0 : i32
    %dma_start3A_149 = tpu.memref_slice %arg4[%add3A_145, %dma_start3A_148] : memref<32768x64xf32, #tpu.memory_space<hbm>> -> memref<128x64xf32, #tpu.memory_space<hbm>>
    tpu.enqueue_dma source(%arg12 : memref<128x64xf32, #tpu.memory_space<vmem>>) target(%dma_start3A_149 : memref<128x64xf32, #tpu.memory_space<hbm>>) target_semaphore(%arg15 : memref<!tpu.dma_semaphore, #tpu.memory_space<semaphore_mem>>)
    %dma_wait3A_150 = arith.constant 7 : i32
    %dma_wait3A_151 = arith.constant 0 : i32
    %dma_wait3A_152 = tpu.memref_slice %arg5[%dma_wait3A_150, %dma_wait3A_151] : memref<8x128xi32, #tpu.memory_space<vmem>> -> memref<1x128xi32, #tpu.memory_space<vmem>>
    %dma_wait3A_153 = tpu.memref_squeeze %dma_wait3A_152 : memref<1x128xi32, #tpu.memory_space<vmem>> -> memref<128xi32, #tpu.memory_space<vmem>>
    %dma_wait3A_154 = arith.constant 0 : i32
    %dma_wait3A_155 = arith.constant 0 : i32
    %dma_wait3A_156 = tpu.memref_slice %arg3[%dma_wait3A_154, %dma_wait3A_155] : memref<1024x64xf32, #tpu.memory_space<hbm>> -> memref<1024x64xf32, #tpu.memory_space<hbm>>
    tpu.wait_indirect_dma semaphore(%arg14 : memref<!tpu.dma_semaphore, #tpu.memory_space<semaphore_mem>>) src(%dma_wait3A_156 : memref<1024x64xf32, #tpu.memory_space<hbm>>) dst(%arg13 : memref<128x64xf32, #tpu.memory_space<vmem>>)
    %add3A_157 = arith.constant 896 : i32
    %add3A_158 = arith.addi %mul3A_2, %add3A_157 : i32
    %dma_start3A_159 = arith.constant 0 : i32
    %dma_start3A_160 = tpu.memref_slice %arg4[%add3A_158, %dma_start3A_159] : memref<32768x64xf32, #tpu.memory_space<hbm>> -> memref<128x64xf32, #tpu.memory_space<hbm>>
    %dma_start3A_161 = arith.constant 0 : i32
    %dma_start3A_162 = tpu.memref_slice %arg4[%add3A_158, %dma_start3A_161] : memref<32768x64xf32, #tpu.memory_space<hbm>> -> memref<128x64xf32, #tpu.memory_space<hbm>>
    tpu.enqueue_dma source(%arg13 : memref<128x64xf32, #tpu.memory_space<vmem>>) target(%dma_start3A_162 : memref<128x64xf32, #tpu.memory_space<hbm>>) target_semaphore(%arg15 : memref<!tpu.dma_semaphore, #tpu.memory_space<semaphore_mem>>)
    %dma_wait3A_163 = arith.constant 0 : i32
    %dma_wait3A_164 = tpu.memref_slice %arg4[%add3A_67, %dma_wait3A_163] : memref<32768x64xf32, #tpu.memory_space<hbm>> -> memref<128x64xf32, #tpu.memory_space<hbm>>
    %dma_wait3A_165 = arith.constant 0 : i32
    %dma_wait3A_166 = tpu.memref_slice %arg4[%add3A_67, %dma_wait3A_165] : memref<32768x64xf32, #tpu.memory_space<hbm>> -> memref<128x64xf32, #tpu.memory_space<hbm>>
    tpu.wait_dma2 semaphore(%arg15 : memref<!tpu.dma_semaphore, #tpu.memory_space<semaphore_mem>>) src(%arg6 : memref<128x64xf32, #tpu.memory_space<vmem>>) dst(%dma_wait3A_166 : memref<128x64xf32, #tpu.memory_space<hbm>>)
    %dma_wait3A_167 = arith.constant 0 : i32
    %dma_wait3A_168 = tpu.memref_slice %arg4[%add3A_80, %dma_wait3A_167] : memref<32768x64xf32, #tpu.memory_space<hbm>> -> memref<128x64xf32, #tpu.memory_space<hbm>>
    %dma_wait3A_169 = arith.constant 0 : i32
    %dma_wait3A_170 = tpu.memref_slice %arg4[%add3A_80, %dma_wait3A_169] : memref<32768x64xf32, #tpu.memory_space<hbm>> -> memref<128x64xf32, #tpu.memory_space<hbm>>
    tpu.wait_dma2 semaphore(%arg15 : memref<!tpu.dma_semaphore, #tpu.memory_space<semaphore_mem>>) src(%arg7 : memref<128x64xf32, #tpu.memory_space<vmem>>) dst(%dma_wait3A_170 : memref<128x64xf32, #tpu.memory_space<hbm>>)
    %dma_wait3A_171 = arith.constant 0 : i32
    %dma_wait3A_172 = tpu.memref_slice %arg4[%add3A_93, %dma_wait3A_171] : memref<32768x64xf32, #tpu.memory_space<hbm>> -> memref<128x64xf32, #tpu.memory_space<hbm>>
    %dma_wait3A_173 = arith.constant 0 : i32
    %dma_wait3A_174 = tpu.memref_slice %arg4[%add3A_93, %dma_wait3A_173] : memref<32768x64xf32, #tpu.memory_space<hbm>> -> memref<128x64xf32, #tpu.memory_space<hbm>>
    tpu.wait_dma2 semaphore(%arg15 : memref<!tpu.dma_semaphore, #tpu.memory_space<semaphore_mem>>) src(%arg8 : memref<128x64xf32, #tpu.memory_space<vmem>>) dst(%dma_wait3A_174 : memref<128x64xf32, #tpu.memory_space<hbm>>)
    %dma_wait3A_175 = arith.constant 0 : i32
    %dma_wait3A_176 = tpu.memref_slice %arg4[%add3A_106, %dma_wait3A_175] : memref<32768x64xf32, #tpu.memory_space<hbm>> -> memref<128x64xf32, #tpu.memory_space<hbm>>
    %dma_wait3A_177 = arith.constant 0 : i32
    %dma_wait3A_178 = tpu.memref_slice %arg4[%add3A_106, %dma_wait3A_177] : memref<32768x64xf32, #tpu.memory_space<hbm>> -> memref<128x64xf32, #tpu.memory_space<hbm>>
    tpu.wait_dma2 semaphore(%arg15 : memref<!tpu.dma_semaphore, #tpu.memory_space<semaphore_mem>>) src(%arg9 : memref<128x64xf32, #tpu.memory_space<vmem>>) dst(%dma_wait3A_178 : memref<128x64xf32, #tpu.memory_space<hbm>>)
    %dma_wait3A_179 = arith.constant 0 : i32
    %dma_wait3A_180 = tpu.memref_slice %arg4[%add3A_119, %dma_wait3A_179] : memref<32768x64xf32, #tpu.memory_space<hbm>> -> memref<128x64xf32, #tpu.memory_space<hbm>>
    %dma_wait3A_181 = arith.constant 0 : i32
    %dma_wait3A_182 = tpu.memref_slice %arg4[%add3A_119, %dma_wait3A_181] : memref<32768x64xf32, #tpu.memory_space<hbm>> -> memref<128x64xf32, #tpu.memory_space<hbm>>
    tpu.wait_dma2 semaphore(%arg15 : memref<!tpu.dma_semaphore, #tpu.memory_space<semaphore_mem>>) src(%arg10 : memref<128x64xf32, #tpu.memory_space<vmem>>) dst(%dma_wait3A_182 : memref<128x64xf32, #tpu.memory_space<hbm>>)
    %dma_wait3A_183 = arith.constant 0 : i32
    %dma_wait3A_184 = tpu.memref_slice %arg4[%add3A_132, %dma_wait3A_183] : memref<32768x64xf32, #tpu.memory_space<hbm>> -> memref<128x64xf32, #tpu.memory_space<hbm>>
    %dma_wait3A_185 = arith.constant 0 : i32
    %dma_wait3A_186 = tpu.memref_slice %arg4[%add3A_132, %dma_wait3A_185] : memref<32768x64xf32, #tpu.memory_space<hbm>> -> memref<128x64xf32, #tpu.memory_space<hbm>>
    tpu.wait_dma2 semaphore(%arg15 : memref<!tpu.dma_semaphore, #tpu.memory_space<semaphore_mem>>) src(%arg11 : memref<128x64xf32, #tpu.memory_space<vmem>>) dst(%dma_wait3A_186 : memref<128x64xf32, #tpu.memory_space<hbm>>)
    %dma_wait3A_187 = arith.constant 0 : i32
    %dma_wait3A_188 = tpu.memref_slice %arg4[%add3A_145, %dma_wait3A_187] : memref<32768x64xf32, #tpu.memory_space<hbm>> -> memref<128x64xf32, #tpu.memory_space<hbm>>
    %dma_wait3A_189 = arith.constant 0 : i32
    %dma_wait3A_190 = tpu.memref_slice %arg4[%add3A_145, %dma_wait3A_189] : memref<32768x64xf32, #tpu.memory_space<hbm>> -> memref<128x64xf32, #tpu.memory_space<hbm>>
    tpu.wait_dma2 semaphore(%arg15 : memref<!tpu.dma_semaphore, #tpu.memory_space<semaphore_mem>>) src(%arg12 : memref<128x64xf32, #tpu.memory_space<vmem>>) dst(%dma_wait3A_190 : memref<128x64xf32, #tpu.memory_space<hbm>>)
    %dma_wait3A_191 = arith.constant 0 : i32
    %dma_wait3A_192 = tpu.memref_slice %arg4[%add3A_158, %dma_wait3A_191] : memref<32768x64xf32, #tpu.memory_space<hbm>> -> memref<128x64xf32, #tpu.memory_space<hbm>>
    %dma_wait3A_193 = arith.constant 0 : i32
    %dma_wait3A_194 = tpu.memref_slice %arg4[%add3A_158, %dma_wait3A_193] : memref<32768x64xf32, #tpu.memory_space<hbm>> -> memref<128x64xf32, #tpu.memory_space<hbm>>
    tpu.wait_dma2 semaphore(%arg15 : memref<!tpu.dma_semaphore, #tpu.memory_space<semaphore_mem>>) src(%arg13 : memref<128x64xf32, #tpu.memory_space<vmem>>) dst(%dma_wait3A_194 : memref<128x64xf32, #tpu.memory_space<hbm>>)
    return
  }
}

module attributes {stable_mosaic.version = 14 : i64} {
  func.func @_embproj_kernel(%arg0: memref<1024x64xf32, #tpu.memory_space<vmem>>, %arg1: memref<32x64xf32, #tpu.memory_space<vmem>>, %arg2: memref<1x32xf32, #tpu.memory_space<vmem>>, %arg3: memref<1024x32xf32, #tpu.memory_space<vmem>>, %arg4: memref<1x1024xf32, #tpu.memory_space<vmem>>) attributes {dimension_semantics = [], scalar_prefetch = 0 : i64, scratch_operands = 0 : i64, tpu.core_type = #tpu.core_type<tc>} {
    %get3A = arith.constant 0 : index
    %get3A_0 = arith.constant 0 : index
    %get3A_1 = vector.load %arg0[%get3A, %get3A_0] : memref<1024x64xf32, #tpu.memory_space<vmem>>, vector<1024x64xf32>
    %get3A_2 = arith.constant 0 : index
    %get3A_3 = arith.constant 0 : index
    %get3A_4 = vector.load %arg1[%get3A_2, %get3A_3] : memref<32x64xf32, #tpu.memory_space<vmem>>, vector<32x64xf32>
    %dot_general3A = arith.constant dense<0.000000e+00> : vector<1024x32xf32>
    %dot_general3A_5 = tpu.matmul %get3A_1, %get3A_4, %dot_general3A {dimension_numbers = #tpu.dot_dimension_numbers<[1], [1], [0], [0], [0, 0, 1, 0], [], []>, transpose_lhs_hint = false} : vector<1024x64xf32>, vector<32x64xf32>, vector<1024x32xf32> -> vector<1024x32xf32>
    %get3A_6 = arith.constant 0 : index
    %get3A_7 = arith.constant 0 : index
    %get3A_8 = vector.load %arg2[%get3A_6, %get3A_7] : memref<1x32xf32, #tpu.memory_space<vmem>>, vector<1x32xf32>
    %add3A = vector.broadcast %get3A_8 : vector<1x32xf32> to vector<1024x32xf32>
    %add3A_9 = arith.addf %dot_general3A_5, %add3A : vector<1024x32xf32>
    %swap3A = arith.constant 0 : index
    %swap3A_10 = arith.constant 0 : index
    %swap3A_11 = vector.load %arg3[%swap3A, %swap3A_10] : memref<1024x32xf32, #tpu.memory_space<vmem>>, vector<1024x32xf32>
    tpu.vector_store %arg3[%swap3A, %swap3A_10], %add3A_9 {strides = array<i32>} : memref<1024x32xf32, #tpu.memory_space<vmem>>, vector<1024x32xf32>,
    %mul3A = arith.mulf %add3A_9, %add3A_9 : vector<1024x32xf32>
    %reduce_sum3A = arith.constant dense<0.000000e+00> : vector<1024xf32>
    %reduce_sum3A_12 = vector.multi_reduction <add>, %mul3A, %reduce_sum3A [1] : vector<1024x32xf32> to vector<1024xf32>
    %broadcast_in_dim3A = vector.shape_cast %reduce_sum3A_12 : vector<1024xf32> to vector<1x1024xf32>
    %swap3A_13 = arith.constant 0 : index
    %swap3A_14 = arith.constant 0 : index
    %swap3A_15 = vector.load %arg4[%swap3A_13, %swap3A_14] : memref<1x1024xf32, #tpu.memory_space<vmem>>, vector<1x1024xf32>
    tpu.vector_store %arg4[%swap3A_13, %swap3A_14], %broadcast_in_dim3A {strides = array<i32>} : memref<1x1024xf32, #tpu.memory_space<vmem>>, vector<1x1024xf32>,
    return
  }
}

module attributes {stable_mosaic.version = 14 : i64} {
  func.func @_closest_kernel(%arg0: i32, %arg1: memref<2048x64xf32, #tpu.memory_space<vmem>>, %arg2: memref<1024x32xf32, #tpu.memory_space<vmem>>, %arg3: memref<1x1024xf32, #tpu.memory_space<vmem>>, %arg4: memref<32x64xf32, #tpu.memory_space<vmem>>, %arg5: memref<1x32xf32, #tpu.memory_space<vmem>>, %arg6: memref<2048x1024xf32, #tpu.memory_space<vmem>>, %arg7: memref<16x128xi32, #tpu.memory_space<vmem>>) attributes {dimension_semantics = [#tpu.dimension_semantics<arbitrary>], iteration_bounds = array<i64: 16>, scalar_prefetch = 0 : i64, scratch_operands = 0 : i64, tpu.core_type = #tpu.core_type<tc>, window_params = [{transform_indices = @transform_0, window_bounds = array<i64: 2048, 64>}, {pipeline_mode = #tpu.pipeline_mode<synchronous>, transform_indices = @transform_1, window_bounds = array<i64: 1024, 32>}, {pipeline_mode = #tpu.pipeline_mode<synchronous>, transform_indices = @transform_2, window_bounds = array<i64: 1, 1024>}, {pipeline_mode = #tpu.pipeline_mode<synchronous>, transform_indices = @transform_3, window_bounds = array<i64: 32, 64>}, {pipeline_mode = #tpu.pipeline_mode<synchronous>, transform_indices = @transform_4, window_bounds = array<i64: 1, 32>}, {transform_indices = @transform_5, window_bounds = array<i64: 2048, 1024>}, {transform_indices = @transform_6, window_bounds = array<i64: 16, 128>}]} {
    %get3A = arith.constant 0 : index
    %get3A_0 = arith.constant 0 : index
    %get3A_1 = vector.load %arg1[%get3A, %get3A_0] : memref<2048x64xf32, #tpu.memory_space<vmem>>, vector<2048x64xf32>
    %get3A_2 = arith.constant 0 : index
    %get3A_3 = arith.constant 0 : index
    %get3A_4 = vector.load %arg4[%get3A_2, %get3A_3] : memref<32x64xf32, #tpu.memory_space<vmem>>, vector<32x64xf32>
    %dot_general3A = arith.constant dense<0.000000e+00> : vector<2048x32xf32>
    %dot_general3A_5 = tpu.matmul %get3A_1, %get3A_4, %dot_general3A {dimension_numbers = #tpu.dot_dimension_numbers<[1], [1], [0], [0], [0, 0, 1, 0], [], []>, transpose_lhs_hint = false} : vector<2048x64xf32>, vector<32x64xf32>, vector<2048x32xf32> -> vector<2048x32xf32>
    %get3A_6 = arith.constant 0 : index
    %get3A_7 = arith.constant 0 : index
    %get3A_8 = vector.load %arg5[%get3A_6, %get3A_7] : memref<1x32xf32, #tpu.memory_space<vmem>>, vector<1x32xf32>
    %add3A = vector.broadcast %get3A_8 : vector<1x32xf32> to vector<2048x32xf32>
    %add3A_9 = arith.addf %dot_general3A_5, %add3A : vector<2048x32xf32>
    %mul3A = arith.mulf %add3A_9, %add3A_9 : vector<2048x32xf32>
    %reduce_sum3A = arith.constant dense<0.000000e+00> : vector<2048xf32>
    %reduce_sum3A_10 = vector.multi_reduction <add>, %mul3A, %reduce_sum3A [1] : vector<2048x32xf32> to vector<2048xf32>
    %broadcast_in_dim3A = vector.shape_cast %reduce_sum3A_10 : vector<2048xf32> to vector<2048x1xf32>
    %get3A_11 = arith.constant 0 : index
    %get3A_12 = arith.constant 0 : index
    %get3A_13 = vector.load %arg2[%get3A_11, %get3A_12] : memref<1024x32xf32, #tpu.memory_space<vmem>>, vector<1024x32xf32>
    %dot_general3A_14 = arith.constant dense<0.000000e+00> : vector<2048x1024xf32>
    %dot_general3A_15 = tpu.matmul %add3A_9, %get3A_13, %dot_general3A_14 {dimension_numbers = #tpu.dot_dimension_numbers<[1], [1], [0], [0], [0, 0, 1, 0], [], []>, transpose_lhs_hint = false} : vector<2048x32xf32>, vector<1024x32xf32>, vector<2048x1024xf32> -> vector<2048x1024xf32>
    %get3A_16 = arith.constant 0 : index
    %get3A_17 = arith.constant 0 : index
    %get3A_18 = vector.load %arg3[%get3A_16, %get3A_17] : memref<1x1024xf32, #tpu.memory_space<vmem>>, vector<1x1024xf32>
    %add3A_19 = vector.broadcast %broadcast_in_dim3A : vector<2048x1xf32> to vector<2048x1024xf32>
    %add3A_20 = vector.broadcast %get3A_18 : vector<1x1024xf32> to vector<2048x1024xf32>
    %add3A_21 = arith.addf %add3A_19, %add3A_20 : vector<2048x1024xf32>
    %mul3A_22 = arith.constant 2.000000e+00 : f32
    %mul3A_23 = vector.broadcast %mul3A_22 : f32 to vector<2048x1024xf32>
    %mul3A_24 = arith.mulf %mul3A_23, %dot_general3A_15 : vector<2048x1024xf32>
    %sub3A = arith.subf %add3A_21, %mul3A_24 : vector<2048x1024xf32>
    %reduce_min3A = arith.constant dense<0x7F800000> : vector<2048xf32>
    %reduce_min3A_25 = vector.multi_reduction <minimumf>, %sub3A, %reduce_min3A [1] : vector<2048x1024xf32> to vector<2048xf32>
    %broadcast_in_dim3A_26 = vector.shape_cast %reduce_min3A_25 : vector<2048xf32> to vector<2048x1xf32>
    %iota3A = tpu.iota {dimensions = array<i32: 1>} : vector<2048x1024xi32>
    %eq3A = vector.broadcast %broadcast_in_dim3A_26 : vector<2048x1xf32> to vector<2048x1024xf32>
    %eq3A_27 = arith.cmpf oeq, %sub3A, %eq3A : vector<2048x1024xf32>
    %jit3A = arith.constant 1073741824 : i32
    %broadcast_in_dim3A_28 = vector.broadcast %jit3A : i32 to vector<2048x1024xi32>
    %select_n3A = arith.select %eq3A_27, %iota3A, %broadcast_in_dim3A_28 : vector<2048x1024xi1>, vector<2048x1024xi32>
    %reduce_min3A_29 = arith.constant dense<2147483647> : vector<2048xi32>
    %reduce_min3A_30 = vector.multi_reduction <minsi>, %select_n3A, %reduce_min3A_29 [1] : vector<2048x1024xi32> to vector<2048xi32>
    %broadcast_in_dim3A_31 = vector.shape_cast %reduce_min3A_30 : vector<2048xi32> to vector<2048x1xi32>
    %eq3A_32 = vector.broadcast %broadcast_in_dim3A_31 : vector<2048x1xi32> to vector<2048x1024xi32>
    %eq3A_33 = arith.cmpi eq, %iota3A, %eq3A_32 : vector<2048x1024xi32>
    %convert_element_type3A = arith.extui %eq3A_33 : vector<2048x1024xi1> to vector<2048x1024xi32>
    %convert_element_type3A_34 = arith.sitofp %convert_element_type3A : vector<2048x1024xi32> to vector<2048x1024xf32>
    %swap3A = arith.constant 0 : index
    %swap3A_35 = arith.constant 0 : index
    %swap3A_36 = vector.load %arg6[%swap3A, %swap3A_35] : memref<2048x1024xf32, #tpu.memory_space<vmem>>, vector<2048x1024xf32>
    tpu.vector_store %arg6[%swap3A, %swap3A_35], %convert_element_type3A_34 {strides = array<i32>} : memref<2048x1024xf32, #tpu.memory_space<vmem>>, vector<2048x1024xf32>,
    %reshape3A = vector.shape_cast %reduce_min3A_30 : vector<2048xi32> to vector<16x128xi32>
    %swap3A_37 = arith.constant 0 : index
    %swap3A_38 = arith.constant 0 : index
    %swap3A_39 = vector.load %arg7[%swap3A_37, %swap3A_38] : memref<16x128xi32, #tpu.memory_space<vmem>>, vector<16x128xi32>
    tpu.vector_store %arg7[%swap3A_37, %swap3A_38], %reshape3A {strides = array<i32>} : memref<16x128xi32, #tpu.memory_space<vmem>>, vector<16x128xi32>,
    return
  }
  func.func @transform_0(%arg0: i32) -> (i32, i32) {
    %c0_i32 = arith.constant 0 : i32
    %c0_i32_0 = arith.constant 0 : i32
    return %arg0, %c0_i32 : i32, i32
  }
  func.func @transform_1(%arg0: i32) -> (i32, i32) {
    %c0_i32 = arith.constant 0 : i32
    %c0_i32_0 = arith.constant 0 : i32
    %c0_i32_1 = arith.constant 0 : i32
    return %c0_i32, %c0_i32_0 : i32, i32
  }
  func.func @transform_2(%arg0: i32) -> (i32, i32) {
    %c0_i32 = arith.constant 0 : i32
    %c0_i32_0 = arith.constant 0 : i32
    %c0_i32_1 = arith.constant 0 : i32
    return %c0_i32, %c0_i32_0 : i32, i32
  }
  func.func @transform_3(%arg0: i32) -> (i32, i32) {
    %c0_i32 = arith.constant 0 : i32
    %c0_i32_0 = arith.constant 0 : i32
    %c0_i32_1 = arith.constant 0 : i32
    return %c0_i32, %c0_i32_0 : i32, i32
  }
  func.func @transform_4(%arg0: i32) -> (i32, i32) {
    %c0_i32 = arith.constant 0 : i32
    %c0_i32_0 = arith.constant 0 : i32
    %c0_i32_1 = arith.constant 0 : i32
    return %c0_i32, %c0_i32_0 : i32, i32
  }
  func.func @transform_5(%arg0: i32) -> (i32, i32) {
    %c0_i32 = arith.constant 0 : i32
    %c0_i32_0 = arith.constant 0 : i32
    return %arg0, %c0_i32 : i32, i32
  }
  func.func @transform_6(%arg0: i32) -> (i32, i32) {
    %c0_i32 = arith.constant 0 : i32
    %c0_i32_0 = arith.constant 0 : i32
    return %arg0, %c0_i32 : i32, i32
  }
}

</mosaic_0001>

<sc_bundles>
// kernel: kernel.5.cloned.1.call-start
scs
__scs_entry_jumppad:
0x0: {  	(pc) =	sbr.rel $0x88, $3  }
0x1: {  	(tag) =	ssettag $0x0;
	lr =	simm.s32 $0x1  }
0x2: {  	[smem:$0x3F9D] =	sst lr;
	_ =	strace $0xD0000000  }
0x3: {  	_ = 	snop  }
0x4: {  	_ = 	snop  }
0x5: {  	_ = 	snop  }
0x6: {  	_ = 	snop  }
0x7: {  	_ = 	snop  }
__scs_overlays_trampoline_lowered:
0x8: {  	[smem:$0x3FAC] =	sst s0  }
0x9: {  	[smem:$0x3FAD] =	sst s1  }
0xa: {  	[smem:$0x3FAE] =	sst s2  }
0xb: {  	[smem:$0x3FAF] =	sst s3  }
0xc: {  	[smem:$0x3FB0] =	sst s4  }
0xd: {  	[smem:$0x3FB1] =	sst s5  }
0xe: {  	[smem:$0x3FB2] =	sst s6  }
0xf: {  	[smem:$0x3FB3] =	sst s7  }
0x10: {  	[smem:$0x3FB4] =	sst s8  }
0x11: {  	[smem:$0x3FB5] =	sst s9;
	s0 =	simm.s32 @!p0 $0x0  }
0x12: {  	s1 =	sld [smem:$0x3F9B];
	s0 =	simm.s32 @p0 $0x1  }
0x13: {  	[smem:$0x3FB6] =	sst s0;
	s0 =	simm.s32 @!p1 $0x0  }
0x14: {  	s2 =	sld [smem:$0x3F9A];
	s0 =	simm.s32 @p1 $0x1  }
0x15: {  	[smem:$0x3FB7] =	sst s0;
	s0 =	simm.s32 @!p2 $0x0  }
0x16: {  	s3 =	sld [smem:$0x3FDB];
	s0 =	simm.s32 @p2 $0x1  }
0x17: {  	s4 =	simm.s32 $0x1BF5;
	[smem:$0x3FB9] =	sst s0  }
0x18: {  	s0 =	sld [smem:$0x3F9C];
	_ =	swait.ge [sflag:s4], $0x0  }
0x19: {  	s7 =	sld [smem:$0x3F9D]  }
0x1a: {  	s8 =	sadd.s32 $0xFFFFE003, lr  }
0x1b: {  	s9 =	sadd.s32 $0xFFFFFEF7, lr;
	s5 =	simm.s32 $0xFFFFFFFF;
	p2 =	slt.u32 s8, $0xFFFFF086  }
0x1c: {  	p1 =	slt.u32 s9, $0xF7A;
	s5 =	simm.s32 @!p2 $0x0  }
0x1d: {  	s5 =	simm.s32 @p1 $0x1;
	p0 =	seq.s32 s7, s2  }
0x1e: {  	s7 =	smul.u32 @!p0 $0xF7A, s2;
	p2 =	seq.s32 @!p0 s5, $0x0  }
0x1f: {  	s9 =	smul.u32 $0xF7A, s1;
	s8 =	simm.s32 @!p0 $0x1BF5;
	p2 =	por !p2, p0  }
0x20: {  	[sflag:s8] =	ssyncset.s32 @!p0 $0xFFFFF086;
	s6 =	sadd.s32 @!p0 s3, s7;
	s7 =	simm.s32 @!p0 $0x108  }
0x21: {  	s3 =	sadd.s32 s3, s9;
	s6 =	sadd.s32 @!p0 $0x88, s6;
	s7 =	simm.s32 @p2 $0x1082  }
0x22: {  	[simem:s7], [sflag:s8] =	dma.local @!p0 [hbm:s6], $0xF7A  }
0x23: {  	s9 =	sor.u32 $0xD0000000, s2;
	s6 =	simm.s32 $0x108;
	_ =	swait.ge @!p0 [sflag:s8], $0x0  }
0x24: {  	s3 =	sadd.s32 $0x88, s3;
	s6 =	simm.s32 @!p1 $0x1082;
	[sflag:s4] =	ssyncset.s32 $0xFFFFF086  }
0x25: {  	[simem:s6], [sflag:s4] =	dma.local [hbm:s3], $0xF7A  }
0x26: {  	[smem:$0x3F9D] =	sst s1;
	(tag) =	ssettag s2;
	_ =	strace s9  }
0x27: {  	s1 =	sld [smem:$0x3FAD]  }
0x28: {  	s2 =	sld [smem:$0x3FAE]  }
0x29: {  	s4 =	sld [smem:$0x3FB0]  }
0x2a: {  	p0 =	seq.s32 s5, $0x0;
	s5 =	sld [smem:$0x3FB1]  }
0x2b: {  	s6 =	sld [smem:$0x3FB2]  }
0x2c: {  	s7 =	sld [smem:$0x3FB3]  }
0x2d: {  	s3 =	simm.s32 $0x108;
	s8 =	sld [smem:$0x3FB4]  }
0x2e: {  	s3 =	simm.s32 @!p0 $0x1082;
	s9 =	sld [smem:$0x3FB5]  }
0x2f: {  	lr =	sadd.s32 s0, s3;
	s0 =	sld [smem:$0x3FAC]  }
0x30: {  	s3 =	sld [smem:$0x3FAF]  }
0x31: {  	[smem:$0x3FB8] =	sst s10  }
0x32: {  	s10 =	sld [smem:$0x3FB6];
	_ =	sdelay $0x3  }
0x33: {  	p0 =	seq.s32 s10, $0x1;
	s10 =	sld [smem:$0x3FB8];
	_ =	sdelay $0x3  }
0x34: {  	[smem:$0x3FB8] =	sst s10  }
0x35: {  	s10 =	sld [smem:$0x3FB7];
	_ =	sdelay $0x3  }
0x36: {  	p1 =	seq.s32 s10, $0x1;
	s10 =	sld [smem:$0x3FB8];
	_ =	sdelay $0x3  }
0x37: {  	[smem:$0x3FB8] =	sst s10  }
0x38: {  	s10 =	sld [smem:$0x3FB9]  }
0x39: {  	_ = 	snop;
	(pc) =	sbr.ind lr, $3  }
0x3a: {  	_ = 	snop  }
0x3b: {  	_ = 	snop  }
0x3c: {  	p2 =	seq.s32 s10, $0x1;
	s10 =	sld [smem:$0x3FB8]  }
0x3d: {  	_ =	shalt  }
0x3e: {  	_ =	shalt  }
0x3f: {  	_ =	shalt  }
0x40: {  	_ =	shalt  }
0x41: {  	_ =	shalt  }
0x42: {  	_ =	shalt  }
0x43: {  	_ =	shalt  }
0x44: {  	_ =	shalt  }
0x45: {  	_ =	shalt  }
0x46: {  	_ =	shalt  }
0x47: {  	_ =	shalt  }
0x48: {  	_ =	shalt  }
0x49: {  	_ =	shalt  }
0x4a: {  	_ =	shalt  }
0x4b: {  	_ =	shalt  }
0x4c: {  	_ =	shalt  }
0x4d: {  	_ =	shalt  }
0x4e: {  	_ =	shalt  }
0x4f: {  	_ =	shalt  }
0x50: {  	_ =	shalt  }
0x51: {  	_ =	shalt  }
0x52: {  	_ =	shalt  }
0x53: {  	_ =	shalt  }
0x54: {  	_ =	shalt  }
0x55: {  	_ =	shalt  }
0x56: {  	_ =	shalt  }
0x57: {  	_ =	shalt  }
0x58: {  	_ =	shalt  }
0x59: {  	_ =	shalt  }
0x5a: {  	_ =	shalt  }
0x5b: {  	_ =	shalt  }
0x5c: {  	_ =	shalt  }
0x5d: {  	_ =	shalt  }
0x5e: {  	_ =	shalt  }
0x5f: {  	_ =	shalt  }
0x60: {  	_ =	shalt  }
0x61: {  	_ =	shalt  }
0x62: {  	_ =	shalt  }
0x63: {  	_ =	shalt  }
0x64: {  	_ =	shalt  }
0x65: {  	_ =	shalt  }
0x66: {  	_ =	shalt  }
0x67: {  	_ =	shalt  }
0x68: {  	_ =	shalt  }
0x69: {  	_ =	shalt  }
0x6a: {  	_ =	shalt  }
0x6b: {  	_ =	shalt  }
0x6c: {  	_ =	shalt  }
0x6d: {  	_ =	shalt  }
0x6e: {  	_ =	shalt  }
0x6f: {  	_ =	shalt  }
0x70: {  	_ =	shalt  }
0x71: {  	_ =	shalt  }
0x72: {  	_ =	shalt  }
0x73: {  	_ =	shalt  }
0x74: {  	_ =	shalt  }
0x75: {  	_ =	shalt  }
0x76: {  	_ =	shalt  }
0x77: {  	_ =	shalt  }
0x78: {  	_ =	shalt  }
0x79: {  	_ =	shalt  }
0x7a: {  	_ =	shalt  }
0x7b: {  	_ =	shalt  }
0x7c: {  	_ =	shalt  }
0x7d: {  	_ =	shalt  }
0x7e: {  	_ =	shalt  }
0x7f: {  	_ =	shalt  }
0x80: {  	_ =	shalt  }
0x81: {  	_ =	shalt  }
0x82: {  	_ =	shalt  }
0x83: {  	_ =	shalt  }
0x84: {  	_ =	shalt  }
0x85: {  	_ =	shalt  }
0x86: {  	_ =	shalt  }
0x87: {  	_ =	shalt  }
.Lfunc_end0:
.L_simem_size_0:
called_computation_lowered:
.L_overlay_start_0:
0x88: {  	s2 =	sld [smem:$0x3FD9]  }
0x89: {  	s3 =	sld [smem:$0x3FFE];
	_ =	sdelay $0x1  }
0x8a: {  	s1 =	srdreg.scid  }
0x8b: {  	s0 =	sand.u32 $0x1, s1  }
0x8c: {  	s14 =	sshll.u32 s0, $0xA;
	s2 =	sadd.s32 s3, s2  }
0x8d: {  	s2 =	sadd.s32 s2, s14  }
0x8e: {  	[smem:$0x3FC4] =	sst s2  }
0x8f: {  	_ = 	snop  }
0x90: {  	s2 =	sld [smem:$0x3FD0];
	_ =	sdelay $0x2  }
0x91: {  	s15 =	simm.s32 $0xA;
	s4 =	simm.s32 $0x10  }
0x92: {  	[smem:s4], [sflag:s15] =	dma.local [hbm:s2], $0x1  }
0x93: {  	_ =	swait.eq [sflag:s15], $0x1  }
0x94: {  	[sflag:s15] =	ssyncset.done $0x0  }
0x95: {  	[sflag:s15] =	ssyncadd.s32 $0xFFFFFFFF  }
0x96: {  	s16 =	sld [smem:$0x10];
	(tm) =	ssettm $0x1  }
0x97: {  	s17 =	sld [smem:$0x3FFB];
	_ =	sdelay $0x3  }
0x98: {  	_ =	strace s17  }
0x99: {  	s3 =	sld [smem:$0x3FFC];
	_ =	sdelay $0x3  }
0x9a: {  	_ =	strace s3  }
0x9b: {  	s3 =	sld [smem:$0x3FFD];
	_ =	sdelay $0x3  }
0x9c: {  	_ =	strace s3  }
0x9d: {  	_ =	strace $0x8FFFFFFF  }
0x9e: {  	s18 =	sld [smem:$0x3FDB];
	_ =	sdelay $0x1  }
0x9f: {  	s19 =	simm.s32 $_scs_section_size  }
0xa0: {  	s5 =	simm.s32 $_size__tile_overlayer_lowered;
	s6 =	simm.s32 $_tile_overlayer_lowered  }
0xa1: {  	s22 =	simm.s32 $0x1BFF;
	s21 =	sshll.u32 s6, $0x1;
	s3 =	sadd.s32 s19, s18  }
0xa2: {  	s7 =	simm.s32 $0x0;
	s20 =	sshll.u32 s5, $0x1;
	s5 =	sadd.s32 s21, s3  }
0xa3: {  	[timem:s7], [sflag:s22] =	dma.local [hbm:s5], s20  }
0xa4: {  	_ =	swait.ge [sflag:s22], s20  }
0xa5: {  	s4 =	ssub.s32 $0x0, s20;
	[sflag:s22] =	ssyncset.done $0x0  }
0xa6: {  	[sflag:s22] =	ssyncadd.s32 s4;
	_ =	sdelay $0x1  }
0xa7: {  	s23 =	simm.s32 $0x1B8B  }
0xa8: {  	_ =	swait.ge [sflag:s23], $0x1  }
0xa9: {  	[sflag:s23] =	ssyncset.done $0x0  }
0xaa: {  	s25 =	simm.s32 $0x1B8E;
	s24 =	sld [smem:$0x3FFE];
	[sflag:s23] =	ssyncadd.s32 $0xFFFFFFFF  }
0xab: {  	s26 =	simm.s32 $execute0_lowered;
	[smem:$0x3FD2] =	sst s25  }
0xac: {  	s5 =	sshll.u32 s26, $0x1;
	_ =	strace $0x80000046;
	[dreg:$0x1] =	wrdreg $0xFFFFFFFF  }
0xad: {  	s28 =	simm.s32 $_size_execute0_lowered;
	s3 =	sadd.s32 s3, s5;
	[dreg:$0x0] =	wrdreg $0x0  }
0xae: {  	s5 =	sshll.u32 s28, $0x1;
	[dreg:$0x2] =	wrdreg s3  }
0xaf: {  	[dreg:$0x3] =	wrdreg s5  }
0xb0: {  	[dreg:$0x4] =	wrdreg $0xC0  }
0xb1: {  	_ =	task [dreg:s7], $0x5FFFF  }
0xb2: {  	[dreg:$0x1] =	wrdreg $0xFFFFFFFF  }
0xb3: {  	[dreg:$0x0] =	wrdreg $0x60  }
0xb4: {  	[dreg:$0x2] =	wrdreg s24  }
0xb5: {  	[dreg:$0x3] =	wrdreg s16  }
0xb6: {  	[dreg:$0x4] =	wrdreg $0x9  }
0xb7: {  	_ =	task.clear_ibuf [dreg:s7], $0x5FFFF;
	_ =	strace $0x90000046  }
0xb8: {  	s29 =	simm.s32 $0x9;
	_ =	strace $0x80000048  }
0xb9: {  	_ =	swait.ge [sflag:s29], $0x1  }
0xba: {  	[sflag:s29] =	ssyncadd.s32 $0xFFFFFFFF  }
0xbb: {  	_ =	strace $0x90000048  }
0xbc: {  	_ =	sfence  }
0xbd: {  	s30 =	sld [smem:$0x0];
	_ =	sdelay $0x2  }
0xbe: {  	s31 =	sshll.u32 s1, $0xD;
	s1 =	sshrl.u32 s1, $0x2  }
0xbf: {  	s3 =	sand.u32 $0x4000, s31;
	s1 =	sadd.s32 s1, s30  }
0xc0: {  	s0 =	sor.u32 s3, s0;
	s1 =	sshll.u32 s1, $0x11  }
0xc1: {  	s0 =	sor.u32 s1, s0  }
0xc2: {  	s0 =	sadd.s32 $0x8F2B, s0  }
0xc3: {  	[sflag:s0] =	ssyncadd.remote.s32 $0x1  }
0xc4: {  	_ =	sfence.sel $0xFFFF  }
0xc5: {  	[dreg:$0x0] =	wrdreg $0xFFFFFFFF;
	(pc) =	sbr.abs _section_cstart, $3  }
0xc6: {  	[dreg:$0x1] =	wrdreg $0xFFFFFFFF  }
0xc7: {  	_ =	task.clear_ibuf [dreg:s7], $0x2FFFF;
	_ =	strace $0x9FFFFFFF  }
0xc8: {  	(tm) =	ssettm $0x7FFFFFFF  }
0xc9: {  	_ =	shalt  }
tec
execute0_lowered:
.L_overlay_start_1:
0x0: {  	(tag) =	ssettag $0x1  }
0x1: {  	s0 =	rddreg [dreg:$0x0]  }
0x2: {  	s3 =	rddreg [dreg:$0x1];
	s4 =	srdreg.scid  }
0x3: {  	s1 =	stileid.u32;
	s2 =	simm.s32 $0x0;
	s23 =	simm.s32 $0x3  }
0x4: {  	s22 =	simm.s32 $0x80;
	s21 =	simm.s32 $0x400;
	s20 =	simm.s32 $0x2400  }
0x5: {  	s24 =	simm.s32 $0x100;
	s19 =	simm.s32 $0x4400;
	s25 =	simm.s32 $0x180  }
0x6: {  	s18 =	simm.s32 $0x6400;
	s17 =	simm.s32 $0x8400;
	s28 =	simm.s32 $0x280  }
0x7: {  	s14 =	simm.s32 $0xA400;
	s29 =	simm.s32 $0x300;
	p0 =	por $0x0, $0x0  }
0x8: {  	s15 =	simm.s32 $0xC400;
	s4 =	sand.u32 $0x1, s4;
	s5 =	sshll.u32 s1, $0x1  }
0x9: {  	s30 =	simm.s32 $0x380;
	s5 =	sor.u32 s4, s5;
	s26 =	ssub.s32 $0x2, s4  }
0xa: {  	s12 =	simm.s32 $0xE400;
	s6 =	sshll.u32 s5, $0x7;
	s4 =	sshrl.u32 s26, $0x1  }
0xb: {  	s10 =	sadd.s32 $0xE00, s0;
	s6 =	sadd.s32 s6, s0;
	s0 =	ssub.s32 s26, s4  }
0xc: {  	s16 =	simm.s32 $0x1;
	[smem:$0x7FF] =	sst s2;
	s0 =	smax.u32 s0, $0x1  }
0xd: {  	_ =	strace $0x80000047;
	s5 =	sshll.u32 s5, $0xD;
	p1 =	sne.s32 s0, $0x1  }
.Ltmp0:
0xe: {  	s13 =	sadd.s32 s3, s5;
	s26 =	simm.s32 $0x200;
	(pc) =	sbr.rel @!p1 .LBB2_3-.Ltmp0, $4  }
0xf: {  	s3 =	simm.s32 $0x2;
	s6 =	sadd.s32 $0x2E00, s6;
	s11 =	sadd.s32 $0x400, s13  }
0x10: {  	s9 =	sadd.s32 $0x800, s13;
	s8 =	sadd.s32 $0xC00, s13;
	s7 =	sadd.s32 $0x1000, s13  }
0x11: {  	s5 =	sadd.s32 $0x1800, s13;
	s4 =	sadd.s32 $0x1C00, s13;
	[dreg:$0x3] =	wrdreg s6  }
0x12: {  	s6 =	sadd.s32 $0x1400, s13;
	s31 =	sadd.s32 $0xFFFFFFFF, s0;
	s0 =	rddreg [dreg:$0x3]  }
0x13: {  	[tilespmem:s2], [sflag:$0x3] =	stream.linear.gather [hbm4b:s0+s2], $0x400, $0x38;
	[tilespmem:$0x10400] =	vst v63  }
0x14: {  	_ =	swait.ge [sflag:s23], $0x400  }
0x15: {  	[sflag:s23] =	ssyncset.done $0x0  }
0x16: {  	[sflag:s23] =	ssyncadd.s32 $0xFFFFFC00  }
0x17: {  	[tilespmem:s21], [sflag:$0x1] =	stream.indirect.gather [hbm4b:s10+s22], $0x40, s2, s22, $0xb8;
	[tilespmem:$0x10400] =	vst v63  }
0x18: {  	_ = 	snop  }
0x19: {  	[tilespmem:s20], [sflag:$0x1] =	stream.indirect.gather [hbm4b:s10+s22], $0x40, s22, s22, $0xb8;
	[tilespmem:$0x10400] =	vst v63  }
0x1a: {  	_ = 	snop  }
0x1b: {  	[tilespmem:s19], [sflag:$0x1] =	stream.indirect.gather [hbm4b:s10+s22], $0x40, s24, s22, $0xb8;
	[tilespmem:$0x10400] =	vst v63  }
0x1c: {  	_ = 	snop  }
0x1d: {  	[tilespmem:s18], [sflag:$0x1] =	stream.indirect.gather [hbm4b:s10+s22], $0x40, s25, s22, $0xb8;
	[tilespmem:$0x10400] =	vst v63  }
0x1e: {  	_ = 	snop  }
0x1f: {  	[tilespmem:s17], [sflag:$0x1] =	stream.indirect.gather [hbm4b:s10+s22], $0x40, s26, s22, $0xb8;
	[tilespmem:$0x10400] =	vst v63  }
0x20: {  	_ = 	snop  }
0x21: {  	[tilespmem:s14], [sflag:$0x1] =	stream.indirect.gather [hbm4b:s10+s22], $0x40, s28, s22, $0xb8;
	[tilespmem:$0x10400] =	vst v63  }
0x22: {  	_ = 	snop  }
0x23: {  	[tilespmem:s15], [sflag:$0x1] =	stream.indirect.gather [hbm4b:s10+s22], $0x40, s29, s22, $0xb8;
	[tilespmem:$0x10400] =	vst v63  }
0x24: {  	_ = 	snop  }
0x25: {  	[tilespmem:s12], [sflag:$0x1] =	stream.indirect.gather [hbm4b:s10+s22], $0x40, s30, s22, $0xb8;
	[tilespmem:$0x10400] =	vst v63  }
0x26: {  	_ =	swait.ge [sflag:s16], $0x2000  }
0x27: {  	[sflag:s16] =	ssyncset.done $0x0  }
0x28: {  	[sflag:s16] =	ssyncadd.s32 $0xFFFFE000  }
0x29: {  	[hbm4b:s13+s2] =	stream.linear.scatter [tilespmem:s21], [sflag:$0x2], $0x2000, $0x38;
	[tilespmem:$0x10400] =	vst v63  }
0x2a: {  	_ =	swait.ge [sflag:s16], $0x2000  }
0x2b: {  	[sflag:s16] =	ssyncset.done $0x0  }
0x2c: {  	[sflag:s16] =	ssyncadd.s32 $0xFFFFE000  }
0x2d: {  	[hbm4b:s11+s2] =	stream.linear.scatter [tilespmem:s20], [sflag:$0x2], $0x2000, $0x38;
	[tilespmem:$0x10400] =	vst v63  }
0x2e: {  	_ =	swait.ge [sflag:s16], $0x2000  }
0x2f: {  	[sflag:s16] =	ssyncset.done $0x0  }
0x30: {  	[sflag:s16] =	ssyncadd.s32 $0xFFFFE000  }
0x31: {  	[hbm4b:s9+s2] =	stream.linear.scatter [tilespmem:s19], [sflag:$0x2], $0x2000, $0x38;
	[tilespmem:$0x10400] =	vst v63  }
0x32: {  	_ =	swait.ge [sflag:s16], $0x2000  }
0x33: {  	[sflag:s16] =	ssyncset.done $0x0  }
0x34: {  	[sflag:s16] =	ssyncadd.s32 $0xFFFFE000  }
0x35: {  	[hbm4b:s8+s2] =	stream.linear.scatter [tilespmem:s18], [sflag:$0x2], $0x2000, $0x38;
	[tilespmem:$0x10400] =	vst v63  }
0x36: {  	_ =	swait.ge [sflag:s16], $0x2000  }
0x37: {  	[sflag:s16] =	ssyncset.done $0x0  }
0x38: {  	[sflag:s16] =	ssyncadd.s32 $0xFFFFE000  }
0x39: {  	[hbm4b:s7+s2] =	stream.linear.scatter [tilespmem:s17], [sflag:$0x2], $0x2000, $0x38;
	[tilespmem:$0x10400] =	vst v63  }
0x3a: {  	_ =	swait.ge [sflag:s16], $0x2000  }
0x3b: {  	[sflag:s16] =	ssyncset.done $0x0  }
0x3c: {  	[sflag:s16] =	ssyncadd.s32 $0xFFFFE000  }
0x3d: {  	[hbm4b:s6+s2] =	stream.linear.scatter [tilespmem:s14], [sflag:$0x2], $0x2000, $0x38;
	[tilespmem:$0x10400] =	vst v63  }
0x3e: {  	_ =	swait.ge [sflag:s16], $0x2000  }
0x3f: {  	[sflag:s16] =	ssyncset.done $0x0  }
0x40: {  	[sflag:s16] =	ssyncadd.s32 $0xFFFFE000  }
0x41: {  	[hbm4b:s5+s2] =	stream.linear.scatter [tilespmem:s15], [sflag:$0x2], $0x2000, $0x38;
	[tilespmem:$0x10400] =	vst v63  }
0x42: {  	_ =	swait.ge [sflag:s16], $0x2000  }
0x43: {  	[sflag:s16] =	ssyncset.done $0x0  }
0x44: {  	[sflag:s16] =	ssyncadd.s32 $0xFFFFE000  }
0x45: {  	[hbm4b:s4+s2] =	stream.linear.scatter [tilespmem:s12], [sflag:$0x2], $0x2000, $0x38;
	[tilespmem:$0x10400] =	vst v63  }
0x46: {  	_ =	swait.ge [sflag:s3], $0x2000  }
0x47: {  	[sflag:s3] =	ssyncset.done $0x0  }
0x48: {  	[sflag:s3] =	ssyncadd.s32 $0xFFFFE000  }
0x49: {  	_ =	swait.ge [sflag:s3], $0x2000  }
0x4a: {  	[sflag:s3] =	ssyncset.done $0x0  }
0x4b: {  	[sflag:s3] =	ssyncadd.s32 $0xFFFFE000  }
0x4c: {  	_ =	swait.ge [sflag:s3], $0x2000  }
0x4d: {  	[sflag:s3] =	ssyncset.done $0x0  }
0x4e: {  	[sflag:s3] =	ssyncadd.s32 $0xFFFFE000  }
0x4f: {  	_ =	swait.ge [sflag:s3], $0x2000  }
0x50: {  	[sflag:s3] =	ssyncset.done $0x0  }
0x51: {  	[sflag:s3] =	ssyncadd.s32 $0xFFFFE000  }
0x52: {  	_ =	swait.ge [sflag:s3], $0x2000  }
0x53: {  	[sflag:s3] =	ssyncset.done $0x0  }
0x54: {  	[sflag:s3] =	ssyncadd.s32 $0xFFFFE000  }
0x55: {  	_ =	swait.ge [sflag:s3], $0x2000  }
0x56: {  	[sflag:s3] =	ssyncset.done $0x0  }
0x57: {  	p1 =	sne.s32 s31, $0x1;
	[sflag:s3] =	ssyncadd.s32 $0xFFFFE000  }
.Ltmp1:
0x58: {  	_ =	swait.ge [sflag:s3], $0x2000;
	(pc) =	sbr.rel @!p1 .LBB2_3-.Ltmp1, $4  }
0x59: {  	[sflag:s3] =	ssyncset.done $0x0  }
0x5a: {  	[sflag:s3] =	ssyncadd.s32 $0xFFFFE000  }
0x5b: {  	s31 =	sadd.s32 $0xFFFFFFFF, s31;
	_ =	swait.ge [sflag:s3], $0x2000  }
0x5c: {  	p0 =	por $0x1, $0x1;
	s0 =	rddreg [dreg:$0x3];
	[sflag:s3] =	ssyncset.done $0x0  }
.LBB2_2:
0x5d: {  	[sflag:s3] =	ssyncadd.s32 $0xFFFFE000  }
0x5e: {  	[tilespmem:s2], [sflag:$0x3] =	stream.linear.gather [hbm4b:s0+s2], $0x400, $0x38;
	[tilespmem:$0x10400] =	vst v63  }
0x5f: {  	_ =	swait.ge [sflag:s23], $0x400  }
0x60: {  	[sflag:s23] =	ssyncset.done $0x0  }
0x61: {  	[sflag:s23] =	ssyncadd.s32 $0xFFFFFC00  }
0x62: {  	[tilespmem:s21], [sflag:$0x1] =	stream.indirect.gather [hbm4b:s10+s22], $0x40, s2, s22, $0xb8;
	[tilespmem:$0x10400] =	vst v63  }
0x63: {  	_ = 	snop  }
0x64: {  	[tilespmem:s20], [sflag:$0x1] =	stream.indirect.gather [hbm4b:s10+s22], $0x40, s22, s22, $0xb8;
	[tilespmem:$0x10400] =	vst v63  }
0x65: {  	_ = 	snop  }
0x66: {  	[tilespmem:s19], [sflag:$0x1] =	stream.indirect.gather [hbm4b:s10+s22], $0x40, s24, s22, $0xb8;
	[tilespmem:$0x10400] =	vst v63  }
0x67: {  	_ = 	snop  }
0x68: {  	[tilespmem:s18], [sflag:$0x1] =	stream.indirect.gather [hbm4b:s10+s22], $0x40, s25, s22, $0xb8;
	[tilespmem:$0x10400] =	vst v63  }
0x69: {  	_ = 	snop  }
0x6a: {  	[tilespmem:s17], [sflag:$0x1] =	stream.indirect.gather [hbm4b:s10+s22], $0x40, s26, s22, $0xb8;
	[tilespmem:$0x10400] =	vst v63  }
0x6b: {  	_ = 	snop  }
0x6c: {  	[tilespmem:s14], [sflag:$0x1] =	stream.indirect.gather [hbm4b:s10+s22], $0x40, s28, s22, $0xb8;
	[tilespmem:$0x10400] =	vst v63  }
0x6d: {  	_ = 	snop  }
0x6e: {  	[tilespmem:s15], [sflag:$0x1] =	stream.indirect.gather [hbm4b:s10+s22], $0x40, s29, s22, $0xb8;
	[tilespmem:$0x10400] =	vst v63  }
0x6f: {  	_ = 	snop  }
0x70: {  	[tilespmem:s12], [sflag:$0x1] =	stream.indirect.gather [hbm4b:s10+s22], $0x40, s30, s22, $0xb8;
	[tilespmem:$0x10400] =	vst v63  }
0x71: {  	_ =	swait.ge [sflag:s16], $0x2000  }
0x72: {  	[sflag:s16] =	ssyncset.done $0x0  }
0x73: {  	[sflag:s16] =	ssyncadd.s32 $0xFFFFE000  }
0x74: {  	[hbm4b:s13+s2] =	stream.linear.scatter [tilespmem:s21], [sflag:$0x2], $0x2000, $0x38;
	[tilespmem:$0x10400] =	vst v63  }
0x75: {  	_ =	swait.ge [sflag:s16], $0x2000  }
0x76: {  	[sflag:s16] =	ssyncset.done $0x0  }
0x77: {  	[sflag:s16] =	ssyncadd.s32 $0xFFFFE000  }
0x78: {  	[hbm4b:s11+s2] =	stream.linear.scatter [tilespmem:s20], [sflag:$0x2], $0x2000, $0x38;
	[tilespmem:$0x10400] =	vst v63  }
0x79: {  	_ =	swait.ge [sflag:s16], $0x2000  }
0x7a: {  	[sflag:s16] =	ssyncset.done $0x0  }
0x7b: {  	[sflag:s16] =	ssyncadd.s32 $0xFFFFE000  }
0x7c: {  	[hbm4b:s9+s2] =	stream.linear.scatter [tilespmem:s19], [sflag:$0x2], $0x2000, $0x38;
	[tilespmem:$0x10400] =	vst v63  }
0x7d: {  	_ =	swait.ge [sflag:s16], $0x2000  }
0x7e: {  	[sflag:s16] =	ssyncset.done $0x0  }
0x7f: {  	[sflag:s16] =	ssyncadd.s32 $0xFFFFE000  }
0x80: {  	[hbm4b:s8+s2] =	stream.linear.scatter [tilespmem:s18], [sflag:$0x2], $0x2000, $0x38;
	[tilespmem:$0x10400] =	vst v63  }
0x81: {  	_ =	swait.ge [sflag:s16], $0x2000  }
0x82: {  	[sflag:s16] =	ssyncset.done $0x0  }
0x83: {  	[sflag:s16] =	ssyncadd.s32 $0xFFFFE000  }
0x84: {  	[hbm4b:s7+s2] =	stream.linear.scatter [tilespmem:s17], [sflag:$0x2], $0x2000, $0x38;
	[tilespmem:$0x10400] =	vst v63  }
0x85: {  	_ =	swait.ge [sflag:s16], $0x2000  }
0x86: {  	[sflag:s16] =	ssyncset.done $0x0  }
0x87: {  	[sflag:s16] =	ssyncadd.s32 $0xFFFFE000  }
0x88: {  	[hbm4b:s6+s2] =	stream.linear.scatter [tilespmem:s14], [sflag:$0x2], $0x2000, $0x38;
	[tilespmem:$0x10400] =	vst v63  }
0x89: {  	_ =	swait.ge [sflag:s16], $0x2000  }
0x8a: {  	[sflag:s16] =	ssyncset.done $0x0  }
0x8b: {  	[sflag:s16] =	ssyncadd.s32 $0xFFFFE000  }
0x8c: {  	[hbm4b:s5+s2] =	stream.linear.scatter [tilespmem:s15], [sflag:$0x2], $0x2000, $0x38;
	[tilespmem:$0x10400] =	vst v63  }
0x8d: {  	_ =	swait.ge [sflag:s16], $0x2000  }
0x8e: {  	[sflag:s16] =	ssyncset.done $0x0  }
0x8f: {  	[sflag:s16] =	ssyncadd.s32 $0xFFFFE000  }
0x90: {  	[hbm4b:s4+s2] =	stream.linear.scatter [tilespmem:s12], [sflag:$0x2], $0x2000, $0x38;
	[tilespmem:$0x10400] =	vst v63  }
0x91: {  	_ =	swait.ge [sflag:s3], $0x2000  }
0x92: {  	[sflag:s3] =	ssyncset.done $0x0  }
0x93: {  	[sflag:s3] =	ssyncadd.s32 $0xFFFFE000  }
0x94: {  	_ =	swait.ge [sflag:s3], $0x2000  }
0x95: {  	[sflag:s3] =	ssyncset.done $0x0  }
0x96: {  	[sflag:s3] =	ssyncadd.s32 $0xFFFFE000  }
0x97: {  	_ =	swait.ge [sflag:s3], $0x2000  }
0x98: {  	[sflag:s3] =	ssyncset.done $0x0  }
0x99: {  	[sflag:s3] =	ssyncadd.s32 $0xFFFFE000  }
0x9a: {  	_ =	swait.ge [sflag:s3], $0x2000  }
0x9b: {  	[sflag:s3] =	ssyncset.done $0x0  }
0x9c: {  	[sflag:s3] =	ssyncadd.s32 $0xFFFFE000  }
0x9d: {  	_ =	swait.ge [sflag:s3], $0x2000  }
0x9e: {  	[sflag:s3] =	ssyncset.done $0x0  }
0x9f: {  	[sflag:s3] =	ssyncadd.s32 $0xFFFFE000  }
0xa0: {  	_ =	swait.ge [sflag:s3], $0x2000  }
0xa1: {  	[sflag:s3] =	ssyncset.done $0x0  }
0xa2: {  	p1 =	sne.s32 s31, $0x1;
	[sflag:s3] =	ssyncadd.s32 $0xFFFFE000  }
.Ltmp2:
0xa3: {  	_ =	swait.ge [sflag:s3], $0x2000;
	(pc) =	sbr.rel @p1 .LBB2_2-.Ltmp2, $4  }
0xa4: {  	[sflag:s3] =	ssyncset.done $0x0  }
0xa5: {  	[sflag:s3] =	ssyncadd.s32 $0xFFFFE000  }
0xa6: {  	_ =	swait.ge [sflag:s3], $0x2000  }
0xa7: {  	s31 =	sadd.s32 $0xFFFFFFFF, s31;
	s0 =	rddreg [dreg:$0x3];
	[sflag:s3] =	ssyncset.done $0x0  }
.LBB2_3:
0xa8: {  	[sflag:s3] =	ssyncadd.s32 @p0 $0xFFFFE000  }
0xa9: {  	[tilespmem:s2], [sflag:$0x3] =	stream.linear.gather [hbm4b:s0+s2], $0x400, $0x38;
	[tilespmem:$0x10400] =	vst v63  }
0xaa: {  	_ =	swait.ge [sflag:s23], $0x400  }
0xab: {  	[sflag:s23] =	ssyncset.done $0x0  }
0xac: {  	[sflag:s23] =	ssyncadd.s32 $0xFFFFFC00  }
0xad: {  	[tilespmem:s21], [sflag:$0x1] =	stream.indirect.gather [hbm4b:s10+s22], $0x40, s2, s22, $0xb8;
	[tilespmem:$0x10400] =	vst v63  }
0xae: {  	_ = 	snop  }
0xaf: {  	[tilespmem:s20], [sflag:$0x1] =	stream.indirect.gather [hbm4b:s10+s22], $0x40, s22, s22, $0xb8;
	[tilespmem:$0x10400] =	vst v63  }
0xb0: {  	_ = 	snop  }
0xb1: {  	[tilespmem:s19], [sflag:$0x1] =	stream.indirect.gather [hbm4b:s10+s22], $0x40, s24, s22, $0xb8;
	[tilespmem:$0x10400] =	vst v63  }
0xb2: {  	_ = 	snop  }
0xb3: {  	[tilespmem:s18], [sflag:$0x1] =	stream.indirect.gather [hbm4b:s10+s22], $0x40, s25, s22, $0xb8;
	[tilespmem:$0x10400] =	vst v63  }
0xb4: {  	_ = 	snop  }
0xb5: {  	[tilespmem:s17], [sflag:$0x1] =	stream.indirect.gather [hbm4b:s10+s22], $0x40, s26, s22, $0xb8;
	[tilespmem:$0x10400] =	vst v63  }
0xb6: {  	_ = 	snop  }
0xb7: {  	[tilespmem:s14], [sflag:$0x1] =	stream.indirect.gather [hbm4b:s10+s22], $0x40, s28, s22, $0xb8;
	[tilespmem:$0x10400] =	vst v63  }
0xb8: {  	_ = 	snop  }
0xb9: {  	[tilespmem:s15], [sflag:$0x1] =	stream.indirect.gather [hbm4b:s10+s22], $0x40, s29, s22, $0xb8;
	[tilespmem:$0x10400] =	vst v63  }
0xba: {  	_ = 	snop  }
0xbb: {  	[tilespmem:s12], [sflag:$0x1] =	stream.indirect.gather [hbm4b:s10+s22], $0x40, s30, s22, $0xb8;
	[tilespmem:$0x10400] =	vst v63  }
0xbc: {  	_ =	swait.ge [sflag:s16], $0x2000  }
0xbd: {  	[sflag:s16] =	ssyncset.done $0x0  }
0xbe: {  	[sflag:s16] =	ssyncadd.s32 $0xFFFFE000  }
0xbf: {  	[hbm4b:s13+s2] =	stream.linear.scatter [tilespmem:s21], [sflag:$0x2], $0x2000, $0x38;
	[tilespmem:$0x10400] =	vst v63  }
0xc0: {  	_ =	swait.ge [sflag:s16], $0x2000  }
0xc1: {  	[sflag:s16] =	ssyncset.done $0x0  }
0xc2: {  	[sflag:s16] =	ssyncadd.s32 $0xFFFFE000  }
0xc3: {  	[hbm4b:s11+s2] =	stream.linear.scatter [tilespmem:s20], [sflag:$0x2], $0x2000, $0x38;
	[tilespmem:$0x10400] =	vst v63  }
0xc4: {  	_ =	swait.ge [sflag:s16], $0x2000  }
0xc5: {  	[sflag:s16] =	ssyncset.done $0x0  }
0xc6: {  	[sflag:s16] =	ssyncadd.s32 $0xFFFFE000  }
0xc7: {  	[hbm4b:s9+s2] =	stream.linear.scatter [tilespmem:s19], [sflag:$0x2], $0x2000, $0x38;
	[tilespmem:$0x10400] =	vst v63  }
0xc8: {  	_ =	swait.ge [sflag:s16], $0x2000  }
0xc9: {  	[sflag:s16] =	ssyncset.done $0x0  }
0xca: {  	[sflag:s16] =	ssyncadd.s32 $0xFFFFE000  }
0xcb: {  	[hbm4b:s8+s2] =	stream.linear.scatter [tilespmem:s18], [sflag:$0x2], $0x2000, $0x38;
	[tilespmem:$0x10400] =	vst v63  }
0xcc: {  	_ =	swait.ge [sflag:s16], $0x2000  }
0xcd: {  	[sflag:s16] =	ssyncset.done $0x0  }
0xce: {  	[sflag:s16] =	ssyncadd.s32 $0xFFFFE000  }
0xcf: {  	[hbm4b:s7+s2] =	stream.linear.scatter [tilespmem:s17], [sflag:$0x2], $0x2000, $0x38;
	[tilespmem:$0x10400] =	vst v63  }
0xd0: {  	_ =	swait.ge [sflag:s16], $0x2000  }
0xd1: {  	[sflag:s16] =	ssyncset.done $0x0  }
0xd2: {  	[sflag:s16] =	ssyncadd.s32 $0xFFFFE000  }
0xd3: {  	[hbm4b:s6+s2] =	stream.linear.scatter [tilespmem:s14], [sflag:$0x2], $0x2000, $0x38;
	[tilespmem:$0x10400] =	vst v63  }
0xd4: {  	_ =	swait.ge [sflag:s16], $0x2000  }
0xd5: {  	[sflag:s16] =	ssyncset.done $0x0  }
0xd6: {  	[sflag:s16] =	ssyncadd.s32 $0xFFFFE000  }
0xd7: {  	[hbm4b:s5+s2] =	stream.linear.scatter [tilespmem:s15], [sflag:$0x2], $0x2000, $0x38;
	[tilespmem:$0x10400] =	vst v63  }
0xd8: {  	_ =	swait.ge [sflag:s16], $0x2000  }
0xd9: {  	[sflag:s16] =	ssyncset.done $0x0  }
0xda: {  	[sflag:s16] =	ssyncadd.s32 $0xFFFFE000  }
0xdb: {  	[hbm4b:s4+s2] =	stream.linear.scatter [tilespmem:s12], [sflag:$0x2], $0x2000, $0x38;
	[tilespmem:$0x10400] =	vst v63  }
0xdc: {  	_ =	swait.ge [sflag:s3], $0x2000  }
0xdd: {  	[sflag:s3] =	ssyncset.done $0x0  }
0xde: {  	[sflag:s3] =	ssyncadd.s32 $0xFFFFE000  }
0xdf: {  	_ =	swait.ge [sflag:s3], $0x2000  }
0xe0: {  	[sflag:s3] =	ssyncset.done $0x0  }
0xe1: {  	[sflag:s3] =	ssyncadd.s32 $0xFFFFE000  }
0xe2: {  	_ =	swait.ge [sflag:s3], $0x2000  }
0xe3: {  	[sflag:s3] =	ssyncset.done $0x0  }
0xe4: {  	[sflag:s3] =	ssyncadd.s32 $0xFFFFE000  }
0xe5: {  	_ =	swait.ge [sflag:s3], $0x2000  }
0xe6: {  	[sflag:s3] =	ssyncset.done $0x0  }
0xe7: {  	[sflag:s3] =	ssyncadd.s32 $0xFFFFE000  }
0xe8: {  	_ =	swait.ge [sflag:s3], $0x2000  }
0xe9: {  	[sflag:s3] =	ssyncset.done $0x0  }
0xea: {  	[sflag:s3] =	ssyncadd.s32 $0xFFFFE000  }
0xeb: {  	_ =	swait.ge [sflag:s3], $0x2000  }
0xec: {  	[sflag:s3] =	ssyncset.done $0x0  }
0xed: {  	[sflag:s3] =	ssyncadd.s32 $0xFFFFE000  }
0xee: {  	_ =	swait.ge [sflag:s3], $0x2000  }
0xef: {  	[sflag:s3] =	ssyncset.done $0x0  }
0xf0: {  	[sflag:s3] =	ssyncadd.s32 $0xFFFFE000  }
0xf1: {  	_ =	swait.ge [sflag:s3], $0x2000  }
0xf2: {  	[sflag:s3] =	ssyncset.done $0x0  }
0xf3: {  	[sflag:s3] =	ssyncadd.s32 $0xFFFFE000  }
0xf4: {  	_ =	sfence.sel $0x180000  }
0xf5: {  	[bflag:$0x0] =	sbarrier.arrive $0xFFFF  }
0xf6: {  	_ =	strace $0x90000047  }
0xf7: {  	[bflag:$0x2] =	sbarrier.arrive $0xFFFF  }
0xf8: {  	p0 =	sne.s32 s1, $0x0;
	s0 =	rddreg [dreg:$0x2]  }
0xf9: {  	s0 =	sadd.s32 @!p0 $0x100000, s0  }
0xfa: {  	[sflag:s0] =	ssyncadd.tile.s32 @!p0 $0x1;
	_ =	shalt  }
.Lfunc_end2:
_tile_overlayer_lowered:
.L_overlay_start_2:
0xfb: {  	(tag) =	ssettag $0x2  }
0xfc: {  	s0 =	rddreg [dreg:$0x0];
	s2 =	stileid.u32  }
0xfd: {  	s1 =	rddreg [dreg:$0x1];
	p0 =	sne.s32 s2, $0x0  }
0xfe: {  	s3 =	rddreg [dreg:$0x2];
	[bflag:$0x3] =	sbarrier.arrive $0xFFFF;
	s2 =	simm.s32 @!p0 $0x1C03  }
0xff: {  	[timem:s3], [sflag:s2] =	dma.local @!p0 [hbm:s0], s1  }
0x100: {  	s0 =	simm.s32 @!p0 $0x3  }
0x101: {  	_ =	swait.ge @!p0 [sflag:s0], s1  }
0x102: {  	s1 =	ssub.s32 @!p0 $0x0, s1;
	[sflag:s0] =	ssyncset.done @!p0 $0x0  }
0x103: {  	[sflag:s0] =	ssyncadd.s32 @!p0 s1  }
0x104: {  	[bflag:$0x3] =	sbarrier.arrive $0xFFFF  }
0x105: {  	_ =	shalt  }

</sc_bundles>
